<compile_context>
chip_gen: v7x
topology: tpu7x:2x2x1
jax: 0.10.2.dev20260603
libtpu: 0.0.44.dev20260713+nightly
codegen_flags: <defaults>
</compile_context>

<pallas_src>
import functools

import jax
import jax.numpy as jnp
from jax import lax
from jax.experimental import pallas as pl
from jax.experimental.pallas import tpu as pltpu
from jax.experimental.pallas import tpu_sc as plsc

B = 64
S = 1024
D = 768
N = B * S
L = 16

NUM_WORKERS = 32
PER_W = N // NUM_WORKERS
REPS = PER_W // S
C = 64
NPCHUNKS = S // C


def _emb_body(x_hbm, tok_hbm, pos_hbm, out_hbm, idx_v, rows_v, pos_v, sem):
    wid = lax.axis_index("s") * 2 + lax.axis_index("c")
    base = wid * PER_W

    def pchunk(c, carry):
        p0 = c * C
        pltpu.sync_copy(pos_hbm.at[pl.ds(p0, C)], pos_v)
        for r in range(REPS):
            start = base + r * S + p0
            pltpu.sync_copy(x_hbm.at[pl.ds(start, C)], idx_v)
            pltpu.async_copy(tok_hbm.at[idx_v], rows_v, sem).wait()

            def addrow(j, carry2):
                for k in range(D // L):
                    sl = pl.ds(k * L, L)
                    plsc.addupdate(rows_v.at[j, sl], pos_v[j, sl])
                return carry2

            lax.fori_loop(0, C, addrow, 0)
            pltpu.sync_copy(rows_v, out_hbm.at[pl.ds(start, C)])
        return carry

    lax.fori_loop(0, NPCHUNKS, pchunk, 0)


@jax.jit
def _emb(x_flat, token_emb, pos2d):
    mesh = plsc.VectorSubcoreMesh(core_axis_name="c", subcore_axis_name="s")
    f = functools.partial(
        pl.kernel,
        out_type=jax.ShapeDtypeStruct((N, D), jnp.float32),
        mesh=mesh,
        scratch_types=[
            pltpu.VMEM((C,), jnp.int32),
            pltpu.VMEM((C, D), jnp.float32),
            pltpu.VMEM((C, D), jnp.float32),
            pltpu.SemaphoreType.DMA,
        ],
    )(_emb_body)
    return f(x_flat, token_emb, pos2d)


def kernel(x, token_emb, pos_emb):
    x_flat = x.reshape(N)
    pos2d = pos_emb.reshape(S, D)
    out = _emb(x_flat, token_emb, pos2d)
    return out.reshape(B, S, D)

# --- scband reference (transcript-rebuilt; emitter-appended) ---
"""Pipeline reference for scband-gpt2-embedding-40570261078171 (READ-ONLY COPY).

The authoritative reference and input builder live on the scoring server;
editing this copy changes nothing except your own understanding.
"""

import jax, jax.numpy as jnp
import numpy as np

VOCAB = 50257
D_MODEL = 768
MAX_POS = 1024
B = 64
S = 1024

def setup_inputs(seed: int = 0) -> dict:
    key = jax.random.key(seed)
    k1, k2, k3 = jax.random.split(key, 3)
    x = jax.random.randint(k1, (B, S), 0, VOCAB, dtype=jnp.int64 if jax.config.jax_enable_x64 else jnp.int32).astype(jnp.int32)
    token_emb = jax.random.normal(k2, (VOCAB, D_MODEL), dtype=jnp.float32) * 0.02
    pos_emb = jax.random.normal(k3, (1, MAX_POS, D_MODEL), dtype=jnp.float32) * 0.01
    return {"x": x, "token_emb": token_emb, "pos_emb": pos_emb}

def reference(x, token_emb, pos_emb):
    # token embedding lookup (gather) + learned positional embedding slice
    tok = jnp.take(token_emb, x, axis=0)          # [B, S, D]
    seq_len = x.shape[1]
    return tok + pos_emb[:, :seq_len, :]          # broadcast over batch

if __name__ == "__main__":
    import jax
    _d = setup_inputs()
    print(jax.jit(kernel)(*tuple(_d.values())))

</pallas_src>

<mosaic_0001>
#map = affine_map<(d0, d1) -> (0)>
#map1 = affine_map<(d0, d1) -> (0, 0)>
module attributes {stable_mosaic.version = 14 : i64} {
  func.func @_emb_body(%arg0: i32, %arg1: i32, %arg2: memref<65536xi32, #tpu.memory_space<hbm>>, %arg3: memref<50257x768xf32, #tpu.memory_space<hbm>>, %arg4: memref<1024x768xf32, #tpu.memory_space<hbm>>, %arg5: memref<65536x768xf32, #tpu.memory_space<hbm>>, %arg6: memref<64xi32, #tpu.memory_space<vmem>>, %arg7: memref<64x768xf32, #tpu.memory_space<vmem>>, %arg8: memref<64x768xf32, #tpu.memory_space<vmem>>, %arg9: memref<!tpu.dma_semaphore, #tpu.memory_space<semaphore_mem>>) attributes {dimension_semantics = [#tpu.dimension_semantics<core_parallel>, #tpu.dimension_semantics<subcore_parallel>], iteration_bounds = array<i64: 2, 16>, scalar_prefetch = 0 : i64, scratch_operands = 4 : i64, tpu.core_type = #tpu.core_type<sc_vector_subcore>, window_params = [{transform_indices = #map}, {transform_indices = #map1}, {transform_indices = #map1}, {transform_indices = #map1}]} {
    %mul3A = arith.constant 2 : i32
    %mul3A_0 = arith.muli %arg1, %mul3A : i32
    %add3A = arith.addi %mul3A_0, %arg0 : i32
    %mul3A_1 = arith.constant 2048 : i32
    %mul3A_2 = arith.muli %add3A, %mul3A_1 : i32
    %scan3A = arith.constant 0 : i32
    %scan3A_3 = arith.constant 0 : i32
    %scan3A_4 = arith.constant 16 : i32
    %scan3A_5 = arith.addi %scan3A_3, %scan3A_4 : i32
    %scan3A_6 = arith.constant 1 : i32
    scf.for %scan3A_8 = %scan3A_3 to %scan3A_5 step %scan3A_6  : i32 {
      %mul3A_9 = arith.constant 64 : i32
      %mul3A_10 = arith.muli %scan3A_8, %mul3A_9 : i32
      "tpu.region"() ({
        %run_scoped3A = tpu.sem_alloc : memref<!tpu.dma_semaphore, #tpu.memory_space<semaphore_mem>>
        %dma_start3A_39 = arith.constant 0 : i32
        %dma_start3A_40 = tpu.memref_slice %arg4[%mul3A_10, %dma_start3A_39] : memref<1024x768xf32, #tpu.memory_space<hbm>> -> memref<64x768xf32, #tpu.memory_space<hbm>>
        %dma_start3A_41 = arith.constant 0 : i32
        %dma_start3A_42 = tpu.memref_slice %arg4[%mul3A_10, %dma_start3A_41] : memref<1024x768xf32, #tpu.memory_space<hbm>> -> memref<64x768xf32, #tpu.memory_space<hbm>>
        tpu.enqueue_dma source(%dma_start3A_42 : memref<64x768xf32, #tpu.memory_space<hbm>>) target(%arg8 : memref<64x768xf32, #tpu.memory_space<vmem>>) target_semaphore(%run_scoped3A : memref<!tpu.dma_semaphore, #tpu.memory_space<semaphore_mem>>)
        %dma_wait3A_43 = arith.constant 0 : i32
        %dma_wait3A_44 = tpu.memref_slice %arg4[%mul3A_10, %dma_wait3A_43] : memref<1024x768xf32, #tpu.memory_space<hbm>> -> memref<64x768xf32, #tpu.memory_space<hbm>>
        %dma_wait3A_45 = arith.constant 0 : i32
        %dma_wait3A_46 = tpu.memref_slice %arg4[%mul3A_10, %dma_wait3A_45] : memref<1024x768xf32, #tpu.memory_space<hbm>> -> memref<64x768xf32, #tpu.memory_space<hbm>>
        tpu.wait_dma2 semaphore(%run_scoped3A : memref<!tpu.dma_semaphore, #tpu.memory_space<semaphore_mem>>) src(%dma_wait3A_46 : memref<64x768xf32, #tpu.memory_space<hbm>>) dst(%arg8 : memref<64x768xf32, #tpu.memory_space<vmem>>)
        tpu.yield
      }) : () -> ()
      %add3A_11 = arith.constant 0 : i32
      %add3A_12 = arith.addi %mul3A_2, %add3A_11 : i32
      %add3A_13 = arith.addi %add3A_12, %mul3A_10 : i32
      "tpu.region"() ({
        %run_scoped3A = tpu.sem_alloc : memref<!tpu.dma_semaphore, #tpu.memory_space<semaphore_mem>>
        %dma_start3A_39 = tpu.memref_slice %arg2[%add3A_13] : memref<65536xi32, #tpu.memory_space<hbm>> -> memref<64xi32, #tpu.memory_space<hbm>>
        %dma_start3A_40 = tpu.memref_slice %arg2[%add3A_13] : memref<65536xi32, #tpu.memory_space<hbm>> -> memref<64xi32, #tpu.memory_space<hbm>>
        tpu.enqueue_dma source(%dma_start3A_40 : memref<64xi32, #tpu.memory_space<hbm>>) target(%arg6 : memref<64xi32, #tpu.memory_space<vmem>>) target_semaphore(%run_scoped3A : memref<!tpu.dma_semaphore, #tpu.memory_space<semaphore_mem>>)
        %dma_wait3A_41 = tpu.memref_slice %arg2[%add3A_13] : memref<65536xi32, #tpu.memory_space<hbm>> -> memref<64xi32, #tpu.memory_space<hbm>>
        %dma_wait3A_42 = tpu.memref_slice %arg2[%add3A_13] : memref<65536xi32, #tpu.memory_space<hbm>> -> memref<64xi32, #tpu.memory_space<hbm>>
        tpu.wait_dma2 semaphore(%run_scoped3A : memref<!tpu.dma_semaphore, #tpu.memory_space<semaphore_mem>>) src(%dma_wait3A_42 : memref<64xi32, #tpu.memory_space<hbm>>) dst(%arg6 : memref<64xi32, #tpu.memory_space<vmem>>)
        tpu.yield
      }) : () -> ()
      %dma_start3A = arith.constant 0 : i32
      %dma_start3A_14 = arith.constant 0 : i32
      %dma_start3A_15 = tpu.memref_slice %arg3[%dma_start3A, %dma_start3A_14] : memref<50257x768xf32, #tpu.memory_space<hbm>> -> memref<50257x768xf32, #tpu.memory_space<hbm>>
      tpu.enqueue_indirect_dma source(%dma_start3A_15 : memref<50257x768xf32, #tpu.memory_space<hbm>>) target(%arg7 : memref<64x768xf32, #tpu.memory_space<vmem>>) offsets(%arg6 : memref<64xi32, #tpu.memory_space<vmem>>) semaphore(%arg9 : memref<!tpu.dma_semaphore, #tpu.memory_space<semaphore_mem>>)
      %dma_wait3A = arith.constant 0 : i32
      %dma_wait3A_16 = arith.constant 0 : i32
      %dma_wait3A_17 = tpu.memref_slice %arg3[%dma_wait3A, %dma_wait3A_16] : memref<50257x768xf32, #tpu.memory_space<hbm>> -> memref<50257x768xf32, #tpu.memory_space<hbm>>
      tpu.wait_indirect_dma semaphore(%arg9 : memref<!tpu.dma_semaphore, #tpu.memory_space<semaphore_mem>>) src(%dma_wait3A_17 : memref<50257x768xf32, #tpu.memory_space<hbm>>) dst(%arg7 : memref<64x768xf32, #tpu.memory_space<vmem>>)
      %scan3A_18 = arith.constant 0 : i32
      %scan3A_19 = arith.constant 0 : i32
      %scan3A_20 = arith.constant 64 : i32
      %scan3A_21 = arith.addi %scan3A_19, %scan3A_20 : i32
      %scan3A_22 = arith.constant 1 : i32
      scf.for %scan3A_39 = %scan3A_19 to %scan3A_21 step %scan3A_22  : i32 {
        %get3A = arith.index_cast %scan3A_39 : i32 to index
        %get3A_40 = arith.constant 0 : index
        %get3A_41 = tpu.vector_load %arg8[%get3A, %get3A_40] {strides = array<i32>} : memref<64x768xf32, #tpu.memory_space<vmem>>, vector<1x16xf32>,
        %get3A_42 = vector.shape_cast %get3A_41 : vector<1x16xf32> to vector<16xf32>
        %swap3A = arith.index_cast %scan3A_39 : i32 to index
        %swap3A_43 = arith.constant 0 : index
        %swap3A_44 = tpu.vector_load %arg7[%swap3A, %swap3A_43] {strides = array<i32>} : memref<64x768xf32, #tpu.memory_space<vmem>>, vector<1x16xf32>,
        %swap3A_45 = vector.shape_cast %swap3A_44 : vector<1x16xf32> to vector<16xf32>
        %swap3A_46 = vector.shape_cast %get3A_42 : vector<16xf32> to vector<1x16xf32>
        tpu.vector_store %arg7[%swap3A, %swap3A_43], %swap3A_46 {add = true, strides = array<i32>} : memref<64x768xf32, #tpu.memory_space<vmem>>, vector<1x16xf32>,
        %get3A_47 = arith.index_cast %scan3A_39 : i32 to index
        %get3A_48 = arith.constant 16 : index
        %get3A_49 = tpu.vector_load %arg8[%get3A_47, %get3A_48] {strides = array<i32>} : memref<64x768xf32, #tpu.memory_space<vmem>>, vector<1x16xf32>,
        %get3A_50 = vector.shape_cast %get3A_49 : vector<1x16xf32> to vector<16xf32>
        %swap3A_51 = arith.index_cast %scan3A_39 : i32 to index
        %swap3A_52 = arith.constant 16 : index
        %swap3A_53 = tpu.vector_load %arg7[%swap3A_51, %swap3A_52] {strides = array<i32>} : memref<64x768xf32, #tpu.memory_space<vmem>>, vector<1x16xf32>,
        %swap3A_54 = vector.shape_cast %swap3A_53 : vector<1x16xf32> to vector<16xf32>
        %swap3A_55 = vector.shape_cast %get3A_50 : vector<16xf32> to vector<1x16xf32>
        tpu.vector_store %arg7[%swap3A_51, %swap3A_52], %swap3A_55 {add = true, strides = array<i32>} : memref<64x768xf32, #tpu.memory_space<vmem>>, vector<1x16xf32>,
        %get3A_56 = arith.index_cast %scan3A_39 : i32 to index
        %get3A_57 = arith.constant 32 : index
        %get3A_58 = tpu.vector_load %arg8[%get3A_56, %get3A_57] {strides = array<i32>} : memref<64x768xf32, #tpu.memory_space<vmem>>, vector<1x16xf32>,
        %get3A_59 = vector.shape_cast %get3A_58 : vector<1x16xf32> to vector<16xf32>
        %swap3A_60 = arith.index_cast %scan3A_39 : i32 to index
        %swap3A_61 = arith.constant 32 : index
        %swap3A_62 = tpu.vector_load %arg7[%swap3A_60, %swap3A_61] {strides = array<i32>} : memref<64x768xf32, #tpu.memory_space<vmem>>, vector<1x16xf32>,
        %swap3A_63 = vector.shape_cast %swap3A_62 : vector<1x16xf32> to vector<16xf32>
        %swap3A_64 = vector.shape_cast %get3A_59 : vector<16xf32> to vector<1x16xf32>
        tpu.vector_store %arg7[%swap3A_60, %swap3A_61], %swap3A_64 {add = true, strides = array<i32>} : memref<64x768xf32, #tpu.memory_space<vmem>>, vector<1x16xf32>,
        %get3A_65 = arith.index_cast %scan3A_39 : i32 to index
        %get3A_66 = arith.constant 48 : index
        %get3A_67 = tpu.vector_load %arg8[%get3A_65, %get3A_66] {strides = array<i32>} : memref<64x768xf32, #tpu.memory_space<vmem>>, vector<1x16xf32>,
        %get3A_68 = vector.shape_cast %get3A_67 : vector<1x16xf32> to vector<16xf32>
        %swap3A_69 = arith.index_cast %scan3A_39 : i32 to index
        %swap3A_70 = arith.constant 48 : index
        %swap3A_71 = tpu.vector_load %arg7[%swap3A_69, %swap3A_70] {strides = array<i32>} : memref<64x768xf32, #tpu.memory_space<vmem>>, vector<1x16xf32>,
        %swap3A_72 = vector.shape_cast %swap3A_71 : vector<1x16xf32> to vector<16xf32>
        %swap3A_73 = vector.shape_cast %get3A_68 : vector<16xf32> to vector<1x16xf32>
        tpu.vector_store %arg7[%swap3A_69, %swap3A_70], %swap3A_73 {add = true, strides = array<i32>} : memref<64x768xf32, #tpu.memory_space<vmem>>, vector<1x16xf32>,
        %get3A_74 = arith.index_cast %scan3A_39 : i32 to index
        %get3A_75 = arith.constant 64 : index
        %get3A_76 = tpu.vector_load %arg8[%get3A_74, %get3A_75] {strides = array<i32>} : memref<64x768xf32, #tpu.memory_space<vmem>>, vector<1x16xf32>,
        %get3A_77 = vector.shape_cast %get3A_76 : vector<1x16xf32> to vector<16xf32>
        %swap3A_78 = arith.index_cast %scan3A_39 : i32 to index
        %swap3A_79 = arith.constant 64 : index
        %swap3A_80 = tpu.vector_load %arg7[%swap3A_78, %swap3A_79] {strides = array<i32>} : memref<64x768xf32, #tpu.memory_space<vmem>>, vector<1x16xf32>,
        %swap3A_81 = vector.shape_cast %swap3A_80 : vector<1x16xf32> to vector<16xf32>
        %swap3A_82 = vector.shape_cast %get3A_77 : vector<16xf32> to vector<1x16xf32>
        tpu.vector_store %arg7[%swap3A_78, %swap3A_79], %swap3A_82 {add = true, strides = array<i32>} : memref<64x768xf32, #tpu.memory_space<vmem>>, vector<1x16xf32>,
        %get3A_83 = arith.index_cast %scan3A_39 : i32 to index
        %get3A_84 = arith.constant 80 : index
        %get3A_85 = tpu.vector_load %arg8[%get3A_83, %get3A_84] {strides = array<i32>} : memref<64x768xf32, #tpu.memory_space<vmem>>, vector<1x16xf32>,
        %get3A_86 = vector.shape_cast %get3A_85 : vector<1x16xf32> to vector<16xf32>
        %swap3A_87 = arith.index_cast %scan3A_39 : i32 to index
        %swap3A_88 = arith.constant 80 : index
        %swap3A_89 = tpu.vector_load %arg7[%swap3A_87, %swap3A_88] {strides = array<i32>} : memref<64x768xf32, #tpu.memory_space<vmem>>, vector<1x16xf32>,
        %swap3A_90 = vector.shape_cast %swap3A_89 : vector<1x16xf32> to vector<16xf32>
        %swap3A_91 = vector.shape_cast %get3A_86 : vector<16xf32> to vector<1x16xf32>
        tpu.vector_store %arg7[%swap3A_87, %swap3A_88], %swap3A_91 {add = true, strides = array<i32>} : memref<64x768xf32, #tpu.memory_space<vmem>>, vector<1x16xf32>,
        %get3A_92 = arith.index_cast %scan3A_39 : i32 to index
        %get3A_93 = arith.constant 96 : index
        %get3A_94 = tpu.vector_load %arg8[%get3A_92, %get3A_93] {strides = array<i32>} : memref<64x768xf32, #tpu.memory_space<vmem>>, vector<1x16xf32>,
        %get3A_95 = vector.shape_cast %get3A_94 : vector<1x16xf32> to vector<16xf32>
        %swap3A_96 = arith.index_cast %scan3A_39 : i32 to index
        %swap3A_97 = arith.constant 96 : index
        %swap3A_98 = tpu.vector_load %arg7[%swap3A_96, %swap3A_97] {strides = array<i32>} : memref<64x768xf32, #tpu.memory_space<vmem>>, vector<1x16xf32>,
        %swap3A_99 = vector.shape_cast %swap3A_98 : vector<1x16xf32> to vector<16xf32>
        %swap3A_100 = vector.shape_cast %get3A_95 : vector<16xf32> to vector<1x16xf32>
        tpu.vector_store %arg7[%swap3A_96, %swap3A_97], %swap3A_100 {add = true, strides = array<i32>} : memref<64x768xf32, #tpu.memory_space<vmem>>, vector<1x16xf32>,
        %get3A_101 = arith.index_cast %scan3A_39 : i32 to index
        %get3A_102 = arith.constant 112 : index
        %get3A_103 = tpu.vector_load %arg8[%get3A_101, %get3A_102] {strides = array<i32>} : memref<64x768xf32, #tpu.memory_space<vmem>>, vector<1x16xf32>,
        %get3A_104 = vector.shape_cast %get3A_103 : vector<1x16xf32> to vector<16xf32>
        %swap3A_105 = arith.index_cast %scan3A_39 : i32 to index
        %swap3A_106 = arith.constant 112 : index
        %swap3A_107 = tpu.vector_load %arg7[%swap3A_105, %swap3A_106] {strides = array<i32>} : memref<64x768xf32, #tpu.memory_space<vmem>>, vector<1x16xf32>,
        %swap3A_108 = vector.shape_cast %swap3A_107 : vector<1x16xf32> to vector<16xf32>
        %swap3A_109 = vector.shape_cast %get3A_104 : vector<16xf32> to vector<1x16xf32>
        tpu.vector_store %arg7[%swap3A_105, %swap3A_106], %swap3A_109 {add = true, strides = array<i32>} : memref<64x768xf32, #tpu.memory_space<vmem>>, vector<1x16xf32>,
        %get3A_110 = arith.index_cast %scan3A_39 : i32 to index
        %get3A_111 = arith.constant 128 : index
        %get3A_112 = tpu.vector_load %arg8[%get3A_110, %get3A_111] {strides = array<i32>} : memref<64x768xf32, #tpu.memory_space<vmem>>, vector<1x16xf32>,
        %get3A_113 = vector.shape_cast %get3A_112 : vector<1x16xf32> to vector<16xf32>
        %swap3A_114 = arith.index_cast %scan3A_39 : i32 to index
        %swap3A_115 = arith.constant 128 : index
        %swap3A_116 = tpu.vector_load %arg7[%swap3A_114, %swap3A_115] {strides = array<i32>} : memref<64x768xf32, #tpu.memory_space<vmem>>, vector<1x16xf32>,
        %swap3A_117 = vector.shape_cast %swap3A_116 : vector<1x16xf32> to vector<16xf32>
        %swap3A_118 = vector.shape_cast %get3A_113 : vector<16xf32> to vector<1x16xf32>
        tpu.vector_store %arg7[%swap3A_114, %swap3A_115], %swap3A_118 {add = true, strides = array<i32>} : memref<64x768xf32, #tpu.memory_space<vmem>>, vector<1x16xf32>,
        %get3A_119 = arith.index_cast %scan3A_39 : i32 to index
        %get3A_120 = arith.constant 144 : index
        %get3A_121 = tpu.vector_load %arg8[%get3A_119, %get3A_120] {strides = array<i32>} : memref<64x768xf32, #tpu.memory_space<vmem>>, vector<1x16xf32>,
        %get3A_122 = vector.shape_cast %get3A_121 : vector<1x16xf32> to vector<16xf32>
        %swap3A_123 = arith.index_cast %scan3A_39 : i32 to index
        %swap3A_124 = arith.constant 144 : index
        %swap3A_125 = tpu.vector_load %arg7[%swap3A_123, %swap3A_124] {strides = array<i32>} : memref<64x768xf32, #tpu.memory_space<vmem>>, vector<1x16xf32>,
        %swap3A_126 = vector.shape_cast %swap3A_125 : vector<1x16xf32> to vector<16xf32>
        %swap3A_127 = vector.shape_cast %get3A_122 : vector<16xf32> to vector<1x16xf32>
        tpu.vector_store %arg7[%swap3A_123, %swap3A_124], %swap3A_127 {add = true, strides = array<i32>} : memref<64x768xf32, #tpu.memory_space<vmem>>, vector<1x16xf32>,
        %get3A_128 = arith.index_cast %scan3A_39 : i32 to index
        %get3A_129 = arith.constant 160 : index
        %get3A_130 = tpu.vector_load %arg8[%get3A_128, %get3A_129] {strides = array<i32>} : memref<64x768xf32, #tpu.memory_space<vmem>>, vector<1x16xf32>,
        %get3A_131 = vector.shape_cast %get3A_130 : vector<1x16xf32> to vector<16xf32>
        %swap3A_132 = arith.index_cast %scan3A_39 : i32 to index
        %swap3A_133 = arith.constant 160 : index
        %swap3A_134 = tpu.vector_load %arg7[%swap3A_132, %swap3A_133] {strides = array<i32>} : memref<64x768xf32, #tpu.memory_space<vmem>>, vector<1x16xf32>,
        %swap3A_135 = vector.shape_cast %swap3A_134 : vector<1x16xf32> to vector<16xf32>
        %swap3A_136 = vector.shape_cast %get3A_131 : vector<16xf32> to vector<1x16xf32>
        tpu.vector_store %arg7[%swap3A_132, %swap3A_133], %swap3A_136 {add = true, strides = array<i32>} : memref<64x768xf32, #tpu.memory_space<vmem>>, vector<1x16xf32>,
        %get3A_137 = arith.index_cast %scan3A_39 : i32 to index
        %get3A_138 = arith.constant 176 : index
        %get3A_139 = tpu.vector_load %arg8[%get3A_137, %get3A_138] {strides = array<i32>} : memref<64x768xf32, #tpu.memory_space<vmem>>, vector<1x16xf32>,
        %get3A_140 = vector.shape_cast %get3A_139 : vector<1x16xf32> to vector<16xf32>
        %swap3A_141 = arith.index_cast %scan3A_39 : i32 to index
        %swap3A_142 = arith.constant 176 : index
        %swap3A_143 = tpu.vector_load %arg7[%swap3A_141, %swap3A_142] {strides = array<i32>} : memref<64x768xf32, #tpu.memory_space<vmem>>, vector<1x16xf32>,
        %swap3A_144 = vector.shape_cast %swap3A_143 : vector<1x16xf32> to vector<16xf32>
        %swap3A_145 = vector.shape_cast %get3A_140 : vector<16xf32> to vector<1x16xf32>
        tpu.vector_store %arg7[%swap3A_141, %swap3A_142], %swap3A_145 {add = true, strides = array<i32>} : memref<64x768xf32, #tpu.memory_space<vmem>>, vector<1x16xf32>,
        %get3A_146 = arith.index_cast %scan3A_39 : i32 to index
        %get3A_147 = arith.constant 192 : index
        %get3A_148 = tpu.vector_load %arg8[%get3A_146, %get3A_147] {strides = array<i32>} : memref<64x768xf32, #tpu.memory_space<vmem>>, vector<1x16xf32>,
        %get3A_149 = vector.shape_cast %get3A_148 : vector<1x16xf32> to vector<16xf32>
        %swap3A_150 = arith.index_cast %scan3A_39 : i32 to index
        %swap3A_151 = arith.constant 192 : index
        %swap3A_152 = tpu.vector_load %arg7[%swap3A_150, %swap3A_151] {strides = array<i32>} : memref<64x768xf32, #tpu.memory_space<vmem>>, vector<1x16xf32>,
        %swap3A_153 = vector.shape_cast %swap3A_152 : vector<1x16xf32> to vector<16xf32>
        %swap3A_154 = vector.shape_cast %get3A_149 : vector<16xf32> to vector<1x16xf32>
        tpu.vector_store %arg7[%swap3A_150, %swap3A_151], %swap3A_154 {add = true, strides = array<i32>} : memref<64x768xf32, #tpu.memory_space<vmem>>, vector<1x16xf32>,
        %get3A_155 = arith.index_cast %scan3A_39 : i32 to index
        %get3A_156 = arith.constant 208 : index
        %get3A_157 = tpu.vector_load %arg8[%get3A_155, %get3A_156] {strides = array<i32>} : memref<64x768xf32, #tpu.memory_space<vmem>>, vector<1x16xf32>,
        %get3A_158 = vector.shape_cast %get3A_157 : vector<1x16xf32> to vector<16xf32>
        %swap3A_159 = arith.index_cast %scan3A_39 : i32 to index
        %swap3A_160 = arith.constant 208 : index
        %swap3A_161 = tpu.vector_load %arg7[%swap3A_159, %swap3A_160] {strides = array<i32>} : memref<64x768xf32, #tpu.memory_space<vmem>>, vector<1x16xf32>,
        %swap3A_162 = vector.shape_cast %swap3A_161 : vector<1x16xf32> to vector<16xf32>
        %swap3A_163 = vector.shape_cast %get3A_158 : vector<16xf32> to vector<1x16xf32>
        tpu.vector_store %arg7[%swap3A_159, %swap3A_160], %swap3A_163 {add = true, strides = array<i32>} : memref<64x768xf32, #tpu.memory_space<vmem>>, vector<1x16xf32>,
        %get3A_164 = arith.index_cast %scan3A_39 : i32 to index
        %get3A_165 = arith.constant 224 : index
        %get3A_166 = tpu.vector_load %arg8[%get3A_164, %get3A_165] {strides = array<i32>} : memref<64x768xf32, #tpu.memory_space<vmem>>, vector<1x16xf32>,
        %get3A_167 = vector.shape_cast %get3A_166 : vector<1x16xf32> to vector<16xf32>
        %swap3A_168 = arith.index_cast %scan3A_39 : i32 to index
        %swap3A_169 = arith.constant 224 : index
        %swap3A_170 = tpu.vector_load %arg7[%swap3A_168, %swap3A_169] {strides = array<i32>} : memref<64x768xf32, #tpu.memory_space<vmem>>, vector<1x16xf32>,
        %swap3A_171 = vector.shape_cast %swap3A_170 : vector<1x16xf32> to vector<16xf32>
        %swap3A_172 = vector.shape_cast %get3A_167 : vector<16xf32> to vector<1x16xf32>
        tpu.vector_store %arg7[%swap3A_168, %swap3A_169], %swap3A_172 {add = true, strides = array<i32>} : memref<64x768xf32, #tpu.memory_space<vmem>>, vector<1x16xf32>,
        %get3A_173 = arith.index_cast %scan3A_39 : i32 to index
        %get3A_174 = arith.constant 240 : index
        %get3A_175 = tpu.vector_load %arg8[%get3A_173, %get3A_174] {strides = array<i32>} : memref<64x768xf32, #tpu.memory_space<vmem>>, vector<1x16xf32>,
        %get3A_176 = vector.shape_cast %get3A_175 : vector<1x16xf32> to vector<16xf32>
        %swap3A_177 = arith.index_cast %scan3A_39 : i32 to index
        %swap3A_178 = arith.constant 240 : index
        %swap3A_179 = tpu.vector_load %arg7[%swap3A_177, %swap3A_178] {strides = array<i32>} : memref<64x768xf32, #tpu.memory_space<vmem>>, vector<1x16xf32>,
        %swap3A_180 = vector.shape_cast %swap3A_179 : vector<1x16xf32> to vector<16xf32>
        %swap3A_181 = vector.shape_cast %get3A_176 : vector<16xf32> to vector<1x16xf32>
        tpu.vector_store %arg7[%swap3A_177, %swap3A_178], %swap3A_181 {add = true, strides = array<i32>} : memref<64x768xf32, #tpu.memory_space<vmem>>, vector<1x16xf32>,
        %get3A_182 = arith.index_cast %scan3A_39 : i32 to index
        %get3A_183 = arith.constant 256 : index
        %get3A_184 = tpu.vector_load %arg8[%get3A_182, %get3A_183] {strides = array<i32>} : memref<64x768xf32, #tpu.memory_space<vmem>>, vector<1x16xf32>,
        %get3A_185 = vector.shape_cast %get3A_184 : vector<1x16xf32> to vector<16xf32>
        %swap3A_186 = arith.index_cast %scan3A_39 : i32 to index
        %swap3A_187 = arith.constant 256 : index
        %swap3A_188 = tpu.vector_load %arg7[%swap3A_186, %swap3A_187] {strides = array<i32>} : memref<64x768xf32, #tpu.memory_space<vmem>>, vector<1x16xf32>,
        %swap3A_189 = vector.shape_cast %swap3A_188 : vector<1x16xf32> to vector<16xf32>
        %swap3A_190 = vector.shape_cast %get3A_185 : vector<16xf32> to vector<1x16xf32>
        tpu.vector_store %arg7[%swap3A_186, %swap3A_187], %swap3A_190 {add = true, strides = array<i32>} : memref<64x768xf32, #tpu.memory_space<vmem>>, vector<1x16xf32>,
        %get3A_191 = arith.index_cast %scan3A_39 : i32 to index
        %get3A_192 = arith.constant 272 : index
        %get3A_193 = tpu.vector_load %arg8[%get3A_191, %get3A_192] {strides = array<i32>} : memref<64x768xf32, #tpu.memory_space<vmem>>, vector<1x16xf32>,
        %get3A_194 = vector.shape_cast %get3A_193 : vector<1x16xf32> to vector<16xf32>
        %swap3A_195 = arith.index_cast %scan3A_39 : i32 to index
        %swap3A_196 = arith.constant 272 : index
        %swap3A_197 = tpu.vector_load %arg7[%swap3A_195, %swap3A_196] {strides = array<i32>} : memref<64x768xf32, #tpu.memory_space<vmem>>, vector<1x16xf32>,
        %swap3A_198 = vector.shape_cast %swap3A_197 : vector<1x16xf32> to vector<16xf32>
        %swap3A_199 = vector.shape_cast %get3A_194 : vector<16xf32> to vector<1x16xf32>
        tpu.vector_store %arg7[%swap3A_195, %swap3A_196], %swap3A_199 {add = true, strides = array<i32>} : memref<64x768xf32, #tpu.memory_space<vmem>>, vector<1x16xf32>,
        %get3A_200 = arith.index_cast %scan3A_39 : i32 to index
        %get3A_201 = arith.constant 288 : index
        %get3A_202 = tpu.vector_load %arg8[%get3A_200, %get3A_201] {strides = array<i32>} : memref<64x768xf32, #tpu.memory_space<vmem>>, vector<1x16xf32>,
        %get3A_203 = vector.shape_cast %get3A_202 : vector<1x16xf32> to vector<16xf32>
        %swap3A_204 = arith.index_cast %scan3A_39 : i32 to index
        %swap3A_205 = arith.constant 288 : index
        %swap3A_206 = tpu.vector_load %arg7[%swap3A_204, %swap3A_205] {strides = array<i32>} : memref<64x768xf32, #tpu.memory_space<vmem>>, vector<1x16xf32>,
        %swap3A_207 = vector.shape_cast %swap3A_206 : vector<1x16xf32> to vector<16xf32>
        %swap3A_208 = vector.shape_cast %get3A_203 : vector<16xf32> to vector<1x16xf32>
        tpu.vector_store %arg7[%swap3A_204, %swap3A_205], %swap3A_208 {add = true, strides = array<i32>} : memref<64x768xf32, #tpu.memory_space<vmem>>, vector<1x16xf32>,
        %get3A_209 = arith.index_cast %scan3A_39 : i32 to index
        %get3A_210 = arith.constant 304 : index
        %get3A_211 = tpu.vector_load %arg8[%get3A_209, %get3A_210] {strides = array<i32>} : memref<64x768xf32, #tpu.memory_space<vmem>>, vector<1x16xf32>,
        %get3A_212 = vector.shape_cast %get3A_211 : vector<1x16xf32> to vector<16xf32>
        %swap3A_213 = arith.index_cast %scan3A_39 : i32 to index
        %swap3A_214 = arith.constant 304 : index
        %swap3A_215 = tpu.vector_load %arg7[%swap3A_213, %swap3A_214] {strides = array<i32>} : memref<64x768xf32, #tpu.memory_space<vmem>>, vector<1x16xf32>,
        %swap3A_216 = vector.shape_cast %swap3A_215 : vector<1x16xf32> to vector<16xf32>
        %swap3A_217 = vector.shape_cast %get3A_212 : vector<16xf32> to vector<1x16xf32>
        tpu.vector_store %arg7[%swap3A_213, %swap3A_214], %swap3A_217 {add = true, strides = array<i32>} : memref<64x768xf32, #tpu.memory_space<vmem>>, vector<1x16xf32>,
        %get3A_218 = arith.index_cast %scan3A_39 : i32 to index
        %get3A_219 = arith.constant 320 : index
        %get3A_220 = tpu.vector_load %arg8[%get3A_218, %get3A_219] {strides = array<i32>} : memref<64x768xf32, #tpu.memory_space<vmem>>, vector<1x16xf32>,
        %get3A_221 = vector.shape_cast %get3A_220 : vector<1x16xf32> to vector<16xf32>
        %swap3A_222 = arith.index_cast %scan3A_39 : i32 to index
        %swap3A_223 = arith.constant 320 : index
        %swap3A_224 = tpu.vector_load %arg7[%swap3A_222, %swap3A_223] {strides = array<i32>} : memref<64x768xf32, #tpu.memory_space<vmem>>, vector<1x16xf32>,
        %swap3A_225 = vector.shape_cast %swap3A_224 : vector<1x16xf32> to vector<16xf32>
        %swap3A_226 = vector.shape_cast %get3A_221 : vector<16xf32> to vector<1x16xf32>
        tpu.vector_store %arg7[%swap3A_222, %swap3A_223], %swap3A_226 {add = true, strides = array<i32>} : memref<64x768xf32, #tpu.memory_space<vmem>>, vector<1x16xf32>,
        %get3A_227 = arith.index_cast %scan3A_39 : i32 to index
        %get3A_228 = arith.constant 336 : index
        %get3A_229 = tpu.vector_load %arg8[%get3A_227, %get3A_228] {strides = array<i32>} : memref<64x768xf32, #tpu.memory_space<vmem>>, vector<1x16xf32>,
        %get3A_230 = vector.shape_cast %get3A_229 : vector<1x16xf32> to vector<16xf32>
        %swap3A_231 = arith.index_cast %scan3A_39 : i32 to index
        %swap3A_232 = arith.constant 336 : index
        %swap3A_233 = tpu.vector_load %arg7[%swap3A_231, %swap3A_232] {strides = array<i32>} : memref<64x768xf32, #tpu.memory_space<vmem>>, vector<1x16xf32>,
        %swap3A_234 = vector.shape_cast %swap3A_233 : vector<1x16xf32> to vector<16xf32>
        %swap3A_235 = vector.shape_cast %get3A_230 : vector<16xf32> to vector<1x16xf32>
        tpu.vector_store %arg7[%swap3A_231, %swap3A_232], %swap3A_235 {add = true, strides = array<i32>} : memref<64x768xf32, #tpu.memory_space<vmem>>, vector<1x16xf32>,
        %get3A_236 = arith.index_cast %scan3A_39 : i32 to index
        %get3A_237 = arith.constant 352 : index
        %get3A_238 = tpu.vector_load %arg8[%get3A_236, %get3A_237] {strides = array<i32>} : memref<64x768xf32, #tpu.memory_space<vmem>>, vector<1x16xf32>,
        %get3A_239 = vector.shape_cast %get3A_238 : vector<1x16xf32> to vector<16xf32>
        %swap3A_240 = arith.index_cast %scan3A_39 : i32 to index
        %swap3A_241 = arith.constant 352 : index
        %swap3A_242 = tpu.vector_load %arg7[%swap3A_240, %swap3A_241] {strides = array<i32>} : memref<64x768xf32, #tpu.memory_space<vmem>>, vector<1x16xf32>,
        %swap3A_243 = vector.shape_cast %swap3A_242 : vector<1x16xf32> to vector<16xf32>
        %swap3A_244 = vector.shape_cast %get3A_239 : vector<16xf32> to vector<1x16xf32>
        tpu.vector_store %arg7[%swap3A_240, %swap3A_241], %swap3A_244 {add = true, strides = array<i32>} : memref<64x768xf32, #tpu.memory_space<vmem>>, vector<1x16xf32>,
        %get3A_245 = arith.index_cast %scan3A_39 : i32 to index
        %get3A_246 = arith.constant 368 : index
        %get3A_247 = tpu.vector_load %arg8[%get3A_245, %get3A_246] {strides = array<i32>} : memref<64x768xf32, #tpu.memory_space<vmem>>, vector<1x16xf32>,
        %get3A_248 = vector.shape_cast %get3A_247 : vector<1x16xf32> to vector<16xf32>
        %swap3A_249 = arith.index_cast %scan3A_39 : i32 to index
        %swap3A_250 = arith.constant 368 : index
        %swap3A_251 = tpu.vector_load %arg7[%swap3A_249, %swap3A_250] {strides = array<i32>} : memref<64x768xf32, #tpu.memory_space<vmem>>, vector<1x16xf32>,
        %swap3A_252 = vector.shape_cast %swap3A_251 : vector<1x16xf32> to vector<16xf32>
        %swap3A_253 = vector.shape_cast %get3A_248 : vector<16xf32> to vector<1x16xf32>
        tpu.vector_store %arg7[%swap3A_249, %swap3A_250], %swap3A_253 {add = true, strides = array<i32>} : memref<64x768xf32, #tpu.memory_space<vmem>>, vector<1x16xf32>,
        %get3A_254 = arith.index_cast %scan3A_39 : i32 to index
        %get3A_255 = arith.constant 384 : index
        %get3A_256 = tpu.vector_load %arg8[%get3A_254, %get3A_255] {strides = array<i32>} : memref<64x768xf32, #tpu.memory_space<vmem>>, vector<1x16xf32>,
        %get3A_257 = vector.shape_cast %get3A_256 : vector<1x16xf32> to vector<16xf32>
        %swap3A_258 = arith.index_cast %scan3A_39 : i32 to index
        %swap3A_259 = arith.constant 384 : index
        %swap3A_260 = tpu.vector_load %arg7[%swap3A_258, %swap3A_259] {strides = array<i32>} : memref<64x768xf32, #tpu.memory_space<vmem>>, vector<1x16xf32>,
        %swap3A_261 = vector.shape_cast %swap3A_260 : vector<1x16xf32> to vector<16xf32>
        %swap3A_262 = vector.shape_cast %get3A_257 : vector<16xf32> to vector<1x16xf32>
        tpu.vector_store %arg7[%swap3A_258, %swap3A_259], %swap3A_262 {add = true, strides = array<i32>} : memref<64x768xf32, #tpu.memory_space<vmem>>, vector<1x16xf32>,
        %get3A_263 = arith.index_cast %scan3A_39 : i32 to index
        %get3A_264 = arith.constant 400 : index
        %get3A_265 = tpu.vector_load %arg8[%get3A_263, %get3A_264] {strides = array<i32>} : memref<64x768xf32, #tpu.memory_space<vmem>>, vector<1x16xf32>,
        %get3A_266 = vector.shape_cast %get3A_265 : vector<1x16xf32> to vector<16xf32>
        %swap3A_267 = arith.index_cast %scan3A_39 : i32 to index
        %swap3A_268 = arith.constant 400 : index
        %swap3A_269 = tpu.vector_load %arg7[%swap3A_267, %swap3A_268] {strides = array<i32>} : memref<64x768xf32, #tpu.memory_space<vmem>>, vector<1x16xf32>,
        %swap3A_270 = vector.shape_cast %swap3A_269 : vector<1x16xf32> to vector<16xf32>
        %swap3A_271 = vector.shape_cast %get3A_266 : vector<16xf32> to vector<1x16xf32>
        tpu.vector_store %arg7[%swap3A_267, %swap3A_268], %swap3A_271 {add = true, strides = array<i32>} : memref<64x768xf32, #tpu.memory_space<vmem>>, vector<1x16xf32>,
        %get3A_272 = arith.index_cast %scan3A_39 : i32 to index
        %get3A_273 = arith.constant 416 : index
        %get3A_274 = tpu.vector_load %arg8[%get3A_272, %get3A_273] {strides = array<i32>} : memref<64x768xf32, #tpu.memory_space<vmem>>, vector<1x16xf32>,
        %get3A_275 = vector.shape_cast %get3A_274 : vector<1x16xf32> to vector<16xf32>
        %swap3A_276 = arith.index_cast %scan3A_39 : i32 to index
        %swap3A_277 = arith.constant 416 : index
        %swap3A_278 = tpu.vector_load %arg7[%swap3A_276, %swap3A_277] {strides = array<i32>} : memref<64x768xf32, #tpu.memory_space<vmem>>, vector<1x16xf32>,
        %swap3A_279 = vector.shape_cast %swap3A_278 : vector<1x16xf32> to vector<16xf32>
        %swap3A_280 = vector.shape_cast %get3A_275 : vector<16xf32> to vector<1x16xf32>
        tpu.vector_store %arg7[%swap3A_276, %swap3A_277], %swap3A_280 {add = true, strides = array<i32>} : memref<64x768xf32, #tpu.memory_space<vmem>>, vector<1x16xf32>,
        %get3A_281 = arith.index_cast %scan3A_39 : i32 to index
        %get3A_282 = arith.constant 432 : index
        %get3A_283 = tpu.vector_load %arg8[%get3A_281, %get3A_282] {strides = array<i32>} : memref<64x768xf32, #tpu.memory_space<vmem>>, vector<1x16xf32>,
        %get3A_284 = vector.shape_cast %get3A_283 : vector<1x16xf32> to vector<16xf32>
        %swap3A_285 = arith.index_cast %scan3A_39 : i32 to index
        %swap3A_286 = arith.constant 432 : index
        %swap3A_287 = tpu.vector_load %arg7[%swap3A_285, %swap3A_286] {strides = array<i32>} : memref<64x768xf32, #tpu.memory_space<vmem>>, vector<1x16xf32>,
        %swap3A_288 = vector.shape_cast %swap3A_287 : vector<1x16xf32> to vector<16xf32>
        %swap3A_289 = vector.shape_cast %get3A_284 : vector<16xf32> to vector<1x16xf32>
        tpu.vector_store %arg7[%swap3A_285, %swap3A_286], %swap3A_289 {add = true, strides = array<i32>} : memref<64x768xf32, #tpu.memory_space<vmem>>, vector<1x16xf32>,
        %get3A_290 = arith.index_cast %scan3A_39 : i32 to index
        %get3A_291 = arith.constant 448 : index
        %get3A_292 = tpu.vector_load %arg8[%get3A_290, %get3A_291] {strides = array<i32>} : memref<64x768xf32, #tpu.memory_space<vmem>>, vector<1x16xf32>,
        %get3A_293 = vector.shape_cast %get3A_292 : vector<1x16xf32> to vector<16xf32>
        %swap3A_294 = arith.index_cast %scan3A_39 : i32 to index
        %swap3A_295 = arith.constant 448 : index
        %swap3A_296 = tpu.vector_load %arg7[%swap3A_294, %swap3A_295] {strides = array<i32>} : memref<64x768xf32, #tpu.memory_space<vmem>>, vector<1x16xf32>,
        %swap3A_297 = vector.shape_cast %swap3A_296 : vector<1x16xf32> to vector<16xf32>
        %swap3A_298 = vector.shape_cast %get3A_293 : vector<16xf32> to vector<1x16xf32>
        tpu.vector_store %arg7[%swap3A_294, %swap3A_295], %swap3A_298 {add = true, strides = array<i32>} : memref<64x768xf32, #tpu.memory_space<vmem>>, vector<1x16xf32>,
        %get3A_299 = arith.index_cast %scan3A_39 : i32 to index
        %get3A_300 = arith.constant 464 : index
        %get3A_301 = tpu.vector_load %arg8[%get3A_299, %get3A_300] {strides = array<i32>} : memref<64x768xf32, #tpu.memory_space<vmem>>, vector<1x16xf32>,
        %get3A_302 = vector.shape_cast %get3A_301 : vector<1x16xf32> to vector<16xf32>
        %swap3A_303 = arith.index_cast %scan3A_39 : i32 to index
        %swap3A_304 = arith.constant 464 : index
        %swap3A_305 = tpu.vector_load %arg7[%swap3A_303, %swap3A_304] {strides = array<i32>} : memref<64x768xf32, #tpu.memory_space<vmem>>, vector<1x16xf32>,
        %swap3A_306 = vector.shape_cast %swap3A_305 : vector<1x16xf32> to vector<16xf32>
        %swap3A_307 = vector.shape_cast %get3A_302 : vector<16xf32> to vector<1x16xf32>
        tpu.vector_store %arg7[%swap3A_303, %swap3A_304], %swap3A_307 {add = true, strides = array<i32>} : memref<64x768xf32, #tpu.memory_space<vmem>>, vector<1x16xf32>,
        %get3A_308 = arith.index_cast %scan3A_39 : i32 to index
        %get3A_309 = arith.constant 480 : index
        %get3A_310 = tpu.vector_load %arg8[%get3A_308, %get3A_309] {strides = array<i32>} : memref<64x768xf32, #tpu.memory_space<vmem>>, vector<1x16xf32>,
        %get3A_311 = vector.shape_cast %get3A_310 : vector<1x16xf32> to vector<16xf32>
        %swap3A_312 = arith.index_cast %scan3A_39 : i32 to index
        %swap3A_313 = arith.constant 480 : index
        %swap3A_314 = tpu.vector_load %arg7[%swap3A_312, %swap3A_313] {strides = array<i32>} : memref<64x768xf32, #tpu.memory_space<vmem>>, vector<1x16xf32>,
        %swap3A_315 = vector.shape_cast %swap3A_314 : vector<1x16xf32> to vector<16xf32>
        %swap3A_316 = vector.shape_cast %get3A_311 : vector<16xf32> to vector<1x16xf32>
        tpu.vector_store %arg7[%swap3A_312, %swap3A_313], %swap3A_316 {add = true, strides = array<i32>} : memref<64x768xf32, #tpu.memory_space<vmem>>, vector<1x16xf32>,
        %get3A_317 = arith.index_cast %scan3A_39 : i32 to index
        %get3A_318 = arith.constant 496 : index
        %get3A_319 = tpu.vector_load %arg8[%get3A_317, %get3A_318] {strides = array<i32>} : memref<64x768xf32, #tpu.memory_space<vmem>>, vector<1x16xf32>,
        %get3A_320 = vector.shape_cast %get3A_319 : vector<1x16xf32> to vector<16xf32>
        %swap3A_321 = arith.index_cast %scan3A_39 : i32 to index
        %swap3A_322 = arith.constant 496 : index
        %swap3A_323 = tpu.vector_load %arg7[%swap3A_321, %swap3A_322] {strides = array<i32>} : memref<64x768xf32, #tpu.memory_space<vmem>>, vector<1x16xf32>,
        %swap3A_324 = vector.shape_cast %swap3A_323 : vector<1x16xf32> to vector<16xf32>
        %swap3A_325 = vector.shape_cast %get3A_320 : vector<16xf32> to vector<1x16xf32>
        tpu.vector_store %arg7[%swap3A_321, %swap3A_322], %swap3A_325 {add = true, strides = array<i32>} : memref<64x768xf32, #tpu.memory_space<vmem>>, vector<1x16xf32>,
        %get3A_326 = arith.index_cast %scan3A_39 : i32 to index
        %get3A_327 = arith.constant 512 : index
        %get3A_328 = tpu.vector_load %arg8[%get3A_326, %get3A_327] {strides = array<i32>} : memref<64x768xf32, #tpu.memory_space<vmem>>, vector<1x16xf32>,
        %get3A_329 = vector.shape_cast %get3A_328 : vector<1x16xf32> to vector<16xf32>
        %swap3A_330 = arith.index_cast %scan3A_39 : i32 to index
        %swap3A_331 = arith.constant 512 : index
        %swap3A_332 = tpu.vector_load %arg7[%swap3A_330, %swap3A_331] {strides = array<i32>} : memref<64x768xf32, #tpu.memory_space<vmem>>, vector<1x16xf32>,
        %swap3A_333 = vector.shape_cast %swap3A_332 : vector<1x16xf32> to vector<16xf32>
        %swap3A_334 = vector.shape_cast %get3A_329 : vector<16xf32> to vector<1x16xf32>
        tpu.vector_store %arg7[%swap3A_330, %swap3A_331], %swap3A_334 {add = true, strides = array<i32>} : memref<64x768xf32, #tpu.memory_space<vmem>>, vector<1x16xf32>,
        %get3A_335 = arith.index_cast %scan3A_39 : i32 to index
        %get3A_336 = arith.constant 528 : index
        %get3A_337 = tpu.vector_load %arg8[%get3A_335, %get3A_336] {strides = array<i32>} : memref<64x768xf32, #tpu.memory_space<vmem>>, vector<1x16xf32>,
        %get3A_338 = vector.shape_cast %get3A_337 : vector<1x16xf32> to vector<16xf32>
        %swap3A_339 = arith.index_cast %scan3A_39 : i32 to index
        %swap3A_340 = arith.constant 528 : index
        %swap3A_341 = tpu.vector_load %arg7[%swap3A_339, %swap3A_340] {strides = array<i32>} : memref<64x768xf32, #tpu.memory_space<vmem>>, vector<1x16xf32>,
        %swap3A_342 = vector.shape_cast %swap3A_341 : vector<1x16xf32> to vector<16xf32>
        %swap3A_343 = vector.shape_cast %get3A_338 : vector<16xf32> to vector<1x16xf32>
        tpu.vector_store %arg7[%swap3A_339, %swap3A_340], %swap3A_343 {add = true, strides = array<i32>} : memref<64x768xf32, #tpu.memory_space<vmem>>, vector<1x16xf32>,
        %get3A_344 = arith.index_cast %scan3A_39 : i32 to index
        %get3A_345 = arith.constant 544 : index
        %get3A_346 = tpu.vector_load %arg8[%get3A_344, %get3A_345] {strides = array<i32>} : memref<64x768xf32, #tpu.memory_space<vmem>>, vector<1x16xf32>,
        %get3A_347 = vector.shape_cast %get3A_346 : vector<1x16xf32> to vector<16xf32>
        %swap3A_348 = arith.index_cast %scan3A_39 : i32 to index
        %swap3A_349 = arith.constant 544 : index
        %swap3A_350 = tpu.vector_load %arg7[%swap3A_348, %swap3A_349] {strides = array<i32>} : memref<64x768xf32, #tpu.memory_space<vmem>>, vector<1x16xf32>,
        %swap3A_351 = vector.shape_cast %swap3A_350 : vector<1x16xf32> to vector<16xf32>
        %swap3A_352 = vector.shape_cast %get3A_347 : vector<16xf32> to vector<1x16xf32>
        tpu.vector_store %arg7[%swap3A_348, %swap3A_349], %swap3A_352 {add = true, strides = array<i32>} : memref<64x768xf32, #tpu.memory_space<vmem>>, vector<1x16xf32>,
        %get3A_353 = arith.index_cast %scan3A_39 : i32 to index
        %get3A_354 = arith.constant 560 : index
        %get3A_355 = tpu.vector_load %arg8[%get3A_353, %get3A_354] {strides = array<i32>} : memref<64x768xf32, #tpu.memory_space<vmem>>, vector<1x16xf32>,
        %get3A_356 = vector.shape_cast %get3A_355 : vector<1x16xf32> to vector<16xf32>
        %swap3A_357 = arith.index_cast %scan3A_39 : i32 to index
        %swap3A_358 = arith.constant 560 : index
        %swap3A_359 = tpu.vector_load %arg7[%swap3A_357, %swap3A_358] {strides = array<i32>} : memref<64x768xf32, #tpu.memory_space<vmem>>, vector<1x16xf32>,
        %swap3A_360 = vector.shape_cast %swap3A_359 : vector<1x16xf32> to vector<16xf32>
        %swap3A_361 = vector.shape_cast %get3A_356 : vector<16xf32> to vector<1x16xf32>
        tpu.vector_store %arg7[%swap3A_357, %swap3A_358], %swap3A_361 {add = true, strides = array<i32>} : memref<64x768xf32, #tpu.memory_space<vmem>>, vector<1x16xf32>,
        %get3A_362 = arith.index_cast %scan3A_39 : i32 to index
        %get3A_363 = arith.constant 576 : index
        %get3A_364 = tpu.vector_load %arg8[%get3A_362, %get3A_363] {strides = array<i32>} : memref<64x768xf32, #tpu.memory_space<vmem>>, vector<1x16xf32>,
        %get3A_365 = vector.shape_cast %get3A_364 : vector<1x16xf32> to vector<16xf32>
        %swap3A_366 = arith.index_cast %scan3A_39 : i32 to index
        %swap3A_367 = arith.constant 576 : index
        %swap3A_368 = tpu.vector_load %arg7[%swap3A_366, %swap3A_367] {strides = array<i32>} : memref<64x768xf32, #tpu.memory_space<vmem>>, vector<1x16xf32>,
        %swap3A_369 = vector.shape_cast %swap3A_368 : vector<1x16xf32> to vector<16xf32>
        %swap3A_370 = vector.shape_cast %get3A_365 : vector<16xf32> to vector<1x16xf32>
        tpu.vector_store %arg7[%swap3A_366, %swap3A_367], %swap3A_370 {add = true, strides = array<i32>} : memref<64x768xf32, #tpu.memory_space<vmem>>, vector<1x16xf32>,
        %get3A_371 = arith.index_cast %scan3A_39 : i32 to index
        %get3A_372 = arith.constant 592 : index
        %get3A_373 = tpu.vector_load %arg8[%get3A_371, %get3A_372] {strides = array<i32>} : memref<64x768xf32, #tpu.memory_space<vmem>>, vector<1x16xf32>,
        %get3A_374 = vector.shape_cast %get3A_373 : vector<1x16xf32> to vector<16xf32>
        %swap3A_375 = arith.index_cast %scan3A_39 : i32 to index
        %swap3A_376 = arith.constant 592 : index
        %swap3A_377 = tpu.vector_load %arg7[%swap3A_375, %swap3A_376] {strides = array<i32>} : memref<64x768xf32, #tpu.memory_space<vmem>>, vector<1x16xf32>,
        %swap3A_378 = vector.shape_cast %swap3A_377 : vector<1x16xf32> to vector<16xf32>
        %swap3A_379 = vector.shape_cast %get3A_374 : vector<16xf32> to vector<1x16xf32>
        tpu.vector_store %arg7[%swap3A_375, %swap3A_376], %swap3A_379 {add = true, strides = array<i32>} : memref<64x768xf32, #tpu.memory_space<vmem>>, vector<1x16xf32>,
        %get3A_380 = arith.index_cast %scan3A_39 : i32 to index
        %get3A_381 = arith.constant 608 : index
        %get3A_382 = tpu.vector_load %arg8[%get3A_380, %get3A_381] {strides = array<i32>} : memref<64x768xf32, #tpu.memory_space<vmem>>, vector<1x16xf32>,
        %get3A_383 = vector.shape_cast %get3A_382 : vector<1x16xf32> to vector<16xf32>
        %swap3A_384 = arith.index_cast %scan3A_39 : i32 to index
        %swap3A_385 = arith.constant 608 : index
        %swap3A_386 = tpu.vector_load %arg7[%swap3A_384, %swap3A_385] {strides = array<i32>} : memref<64x768xf32, #tpu.memory_space<vmem>>, vector<1x16xf32>,
        %swap3A_387 = vector.shape_cast %swap3A_386 : vector<1x16xf32> to vector<16xf32>
        %swap3A_388 = vector.shape_cast %get3A_383 : vector<16xf32> to vector<1x16xf32>
        tpu.vector_store %arg7[%swap3A_384, %swap3A_385], %swap3A_388 {add = true, strides = array<i32>} : memref<64x768xf32, #tpu.memory_space<vmem>>, vector<1x16xf32>,
        %get3A_389 = arith.index_cast %scan3A_39 : i32 to index
        %get3A_390 = arith.constant 624 : index
        %get3A_391 = tpu.vector_load %arg8[%get3A_389, %get3A_390] {strides = array<i32>} : memref<64x768xf32, #tpu.memory_space<vmem>>, vector<1x16xf32>,
        %get3A_392 = vector.shape_cast %get3A_391 : vector<1x16xf32> to vector<16xf32>
        %swap3A_393 = arith.index_cast %scan3A_39 : i32 to index
        %swap3A_394 = arith.constant 624 : index
        %swap3A_395 = tpu.vector_load %arg7[%swap3A_393, %swap3A_394] {strides = array<i32>} : memref<64x768xf32, #tpu.memory_space<vmem>>, vector<1x16xf32>,
        %swap3A_396 = vector.shape_cast %swap3A_395 : vector<1x16xf32> to vector<16xf32>
        %swap3A_397 = vector.shape_cast %get3A_392 : vector<16xf32> to vector<1x16xf32>
        tpu.vector_store %arg7[%swap3A_393, %swap3A_394], %swap3A_397 {add = true, strides = array<i32>} : memref<64x768xf32, #tpu.memory_space<vmem>>, vector<1x16xf32>,
        %get3A_398 = arith.index_cast %scan3A_39 : i32 to index
        %get3A_399 = arith.constant 640 : index
        %get3A_400 = tpu.vector_load %arg8[%get3A_398, %get3A_399] {strides = array<i32>} : memref<64x768xf32, #tpu.memory_space<vmem>>, vector<1x16xf32>,
        %get3A_401 = vector.shape_cast %get3A_400 : vector<1x16xf32> to vector<16xf32>
        %swap3A_402 = arith.index_cast %scan3A_39 : i32 to index
        %swap3A_403 = arith.constant 640 : index
        %swap3A_404 = tpu.vector_load %arg7[%swap3A_402, %swap3A_403] {strides = array<i32>} : memref<64x768xf32, #tpu.memory_space<vmem>>, vector<1x16xf32>,
        %swap3A_405 = vector.shape_cast %swap3A_404 : vector<1x16xf32> to vector<16xf32>
        %swap3A_406 = vector.shape_cast %get3A_401 : vector<16xf32> to vector<1x16xf32>
        tpu.vector_store %arg7[%swap3A_402, %swap3A_403], %swap3A_406 {add = true, strides = array<i32>} : memref<64x768xf32, #tpu.memory_space<vmem>>, vector<1x16xf32>,
        %get3A_407 = arith.index_cast %scan3A_39 : i32 to index
        %get3A_408 = arith.constant 656 : index
        %get3A_409 = tpu.vector_load %arg8[%get3A_407, %get3A_408] {strides = array<i32>} : memref<64x768xf32, #tpu.memory_space<vmem>>, vector<1x16xf32>,
        %get3A_410 = vector.shape_cast %get3A_409 : vector<1x16xf32> to vector<16xf32>
        %swap3A_411 = arith.index_cast %scan3A_39 : i32 to index
        %swap3A_412 = arith.constant 656 : index
        %swap3A_413 = tpu.vector_load %arg7[%swap3A_411, %swap3A_412] {strides = array<i32>} : memref<64x768xf32, #tpu.memory_space<vmem>>, vector<1x16xf32>,
        %swap3A_414 = vector.shape_cast %swap3A_413 : vector<1x16xf32> to vector<16xf32>
        %swap3A_415 = vector.shape_cast %get3A_410 : vector<16xf32> to vector<1x16xf32>
        tpu.vector_store %arg7[%swap3A_411, %swap3A_412], %swap3A_415 {add = true, strides = array<i32>} : memref<64x768xf32, #tpu.memory_space<vmem>>, vector<1x16xf32>,
        %get3A_416 = arith.index_cast %scan3A_39 : i32 to index
        %get3A_417 = arith.constant 672 : index
        %get3A_418 = tpu.vector_load %arg8[%get3A_416, %get3A_417] {strides = array<i32>} : memref<64x768xf32, #tpu.memory_space<vmem>>, vector<1x16xf32>,
        %get3A_419 = vector.shape_cast %get3A_418 : vector<1x16xf32> to vector<16xf32>
        %swap3A_420 = arith.index_cast %scan3A_39 : i32 to index
        %swap3A_421 = arith.constant 672 : index
        %swap3A_422 = tpu.vector_load %arg7[%swap3A_420, %swap3A_421] {strides = array<i32>} : memref<64x768xf32, #tpu.memory_space<vmem>>, vector<1x16xf32>,
        %swap3A_423 = vector.shape_cast %swap3A_422 : vector<1x16xf32> to vector<16xf32>
        %swap3A_424 = vector.shape_cast %get3A_419 : vector<16xf32> to vector<1x16xf32>
        tpu.vector_store %arg7[%swap3A_420, %swap3A_421], %swap3A_424 {add = true, strides = array<i32>} : memref<64x768xf32, #tpu.memory_space<vmem>>, vector<1x16xf32>,
        %get3A_425 = arith.index_cast %scan3A_39 : i32 to index
        %get3A_426 = arith.constant 688 : index
        %get3A_427 = tpu.vector_load %arg8[%get3A_425, %get3A_426] {strides = array<i32>} : memref<64x768xf32, #tpu.memory_space<vmem>>, vector<1x16xf32>,
        %get3A_428 = vector.shape_cast %get3A_427 : vector<1x16xf32> to vector<16xf32>
        %swap3A_429 = arith.index_cast %scan3A_39 : i32 to index
        %swap3A_430 = arith.constant 688 : index
        %swap3A_431 = tpu.vector_load %arg7[%swap3A_429, %swap3A_430] {strides = array<i32>} : memref<64x768xf32, #tpu.memory_space<vmem>>, vector<1x16xf32>,
        %swap3A_432 = vector.shape_cast %swap3A_431 : vector<1x16xf32> to vector<16xf32>
        %swap3A_433 = vector.shape_cast %get3A_428 : vector<16xf32> to vector<1x16xf32>
        tpu.vector_store %arg7[%swap3A_429, %swap3A_430], %swap3A_433 {add = true, strides = array<i32>} : memref<64x768xf32, #tpu.memory_space<vmem>>, vector<1x16xf32>,
        %get3A_434 = arith.index_cast %scan3A_39 : i32 to index
        %get3A_435 = arith.constant 704 : index
        %get3A_436 = tpu.vector_load %arg8[%get3A_434, %get3A_435] {strides = array<i32>} : memref<64x768xf32, #tpu.memory_space<vmem>>, vector<1x16xf32>,
        %get3A_437 = vector.shape_cast %get3A_436 : vector<1x16xf32> to vector<16xf32>
        %swap3A_438 = arith.index_cast %scan3A_39 : i32 to index
        %swap3A_439 = arith.constant 704 : index
        %swap3A_440 = tpu.vector_load %arg7[%swap3A_438, %swap3A_439] {strides = array<i32>} : memref<64x768xf32, #tpu.memory_space<vmem>>, vector<1x16xf32>,
        %swap3A_441 = vector.shape_cast %swap3A_440 : vector<1x16xf32> to vector<16xf32>
        %swap3A_442 = vector.shape_cast %get3A_437 : vector<16xf32> to vector<1x16xf32>
        tpu.vector_store %arg7[%swap3A_438, %swap3A_439], %swap3A_442 {add = true, strides = array<i32>} : memref<64x768xf32, #tpu.memory_space<vmem>>, vector<1x16xf32>,
        %get3A_443 = arith.index_cast %scan3A_39 : i32 to index
        %get3A_444 = arith.constant 720 : index
        %get3A_445 = tpu.vector_load %arg8[%get3A_443, %get3A_444] {strides = array<i32>} : memref<64x768xf32, #tpu.memory_space<vmem>>, vector<1x16xf32>,
        %get3A_446 = vector.shape_cast %get3A_445 : vector<1x16xf32> to vector<16xf32>
        %swap3A_447 = arith.index_cast %scan3A_39 : i32 to index
        %swap3A_448 = arith.constant 720 : index
        %swap3A_449 = tpu.vector_load %arg7[%swap3A_447, %swap3A_448] {strides = array<i32>} : memref<64x768xf32, #tpu.memory_space<vmem>>, vector<1x16xf32>,
        %swap3A_450 = vector.shape_cast %swap3A_449 : vector<1x16xf32> to vector<16xf32>
        %swap3A_451 = vector.shape_cast %get3A_446 : vector<16xf32> to vector<1x16xf32>
        tpu.vector_store %arg7[%swap3A_447, %swap3A_448], %swap3A_451 {add = true, strides = array<i32>} : memref<64x768xf32, #tpu.memory_space<vmem>>, vector<1x16xf32>,
        %get3A_452 = arith.index_cast %scan3A_39 : i32 to index
        %get3A_453 = arith.constant 736 : index
        %get3A_454 = tpu.vector_load %arg8[%get3A_452, %get3A_453] {strides = array<i32>} : memref<64x768xf32, #tpu.memory_space<vmem>>, vector<1x16xf32>,
        %get3A_455 = vector.shape_cast %get3A_454 : vector<1x16xf32> to vector<16xf32>
        %swap3A_456 = arith.index_cast %scan3A_39 : i32 to index
        %swap3A_457 = arith.constant 736 : index
        %swap3A_458 = tpu.vector_load %arg7[%swap3A_456, %swap3A_457] {strides = array<i32>} : memref<64x768xf32, #tpu.memory_space<vmem>>, vector<1x16xf32>,
        %swap3A_459 = vector.shape_cast %swap3A_458 : vector<1x16xf32> to vector<16xf32>
        %swap3A_460 = vector.shape_cast %get3A_455 : vector<16xf32> to vector<1x16xf32>
        tpu.vector_store %arg7[%swap3A_456, %swap3A_457], %swap3A_460 {add = true, strides = array<i32>} : memref<64x768xf32, #tpu.memory_space<vmem>>, vector<1x16xf32>,
        %get3A_461 = arith.index_cast %scan3A_39 : i32 to index
        %get3A_462 = arith.constant 752 : index
        %get3A_463 = tpu.vector_load %arg8[%get3A_461, %get3A_462] {strides = array<i32>} : memref<64x768xf32, #tpu.memory_space<vmem>>, vector<1x16xf32>,
        %get3A_464 = vector.shape_cast %get3A_463 : vector<1x16xf32> to vector<16xf32>
        %swap3A_465 = arith.index_cast %scan3A_39 : i32 to index
        %swap3A_466 = arith.constant 752 : index
        %swap3A_467 = tpu.vector_load %arg7[%swap3A_465, %swap3A_466] {strides = array<i32>} : memref<64x768xf32, #tpu.memory_space<vmem>>, vector<1x16xf32>,
        %swap3A_468 = vector.shape_cast %swap3A_467 : vector<1x16xf32> to vector<16xf32>
        %swap3A_469 = vector.shape_cast %get3A_464 : vector<16xf32> to vector<1x16xf32>
        tpu.vector_store %arg7[%swap3A_465, %swap3A_466], %swap3A_469 {add = true, strides = array<i32>} : memref<64x768xf32, #tpu.memory_space<vmem>>, vector<1x16xf32>,
      }
      %scan3A_23 = arith.constant 64 : i32
      "tpu.region"() ({
        %run_scoped3A = tpu.sem_alloc : memref<!tpu.dma_semaphore, #tpu.memory_space<semaphore_mem>>
        %dma_start3A_39 = arith.constant 0 : i32
        %dma_start3A_40 = tpu.memref_slice %arg5[%add3A_13, %dma_start3A_39] : memref<65536x768xf32, #tpu.memory_space<hbm>> -> memref<64x768xf32, #tpu.memory_space<hbm>>
        %dma_start3A_41 = arith.constant 0 : i32
        %dma_start3A_42 = tpu.memref_slice %arg5[%add3A_13, %dma_start3A_41] : memref<65536x768xf32, #tpu.memory_space<hbm>> -> memref<64x768xf32, #tpu.memory_space<hbm>>
        tpu.enqueue_dma source(%arg7 : memref<64x768xf32, #tpu.memory_space<vmem>>) target(%dma_start3A_42 : memref<64x768xf32, #tpu.memory_space<hbm>>) target_semaphore(%run_scoped3A : memref<!tpu.dma_semaphore, #tpu.memory_space<semaphore_mem>>)
        %dma_wait3A_43 = arith.constant 0 : i32
        %dma_wait3A_44 = tpu.memref_slice %arg5[%add3A_13, %dma_wait3A_43] : memref<65536x768xf32, #tpu.memory_space<hbm>> -> memref<64x768xf32, #tpu.memory_space<hbm>>
        %dma_wait3A_45 = arith.constant 0 : i32
        %dma_wait3A_46 = tpu.memref_slice %arg5[%add3A_13, %dma_wait3A_45] : memref<65536x768xf32, #tpu.memory_space<hbm>> -> memref<64x768xf32, #tpu.memory_space<hbm>>
        tpu.wait_dma2 semaphore(%run_scoped3A : memref<!tpu.dma_semaphore, #tpu.memory_space<semaphore_mem>>) src(%arg7 : memref<64x768xf32, #tpu.memory_space<vmem>>) dst(%dma_wait3A_46 : memref<64x768xf32, #tpu.memory_space<hbm>>)
        tpu.yield
      }) : () -> ()
      %add3A_24 = arith.constant 1024 : i32
      %add3A_25 = arith.addi %mul3A_2, %add3A_24 : i32
      %add3A_26 = arith.addi %add3A_25, %mul3A_10 : i32
      "tpu.region"() ({
        %run_scoped3A = tpu.sem_alloc : memref<!tpu.dma_semaphore, #tpu.memory_space<semaphore_mem>>
        %dma_start3A_39 = tpu.memref_slice %arg2[%add3A_26] : memref<65536xi32, #tpu.memory_space<hbm>> -> memref<64xi32, #tpu.memory_space<hbm>>
        %dma_start3A_40 = tpu.memref_slice %arg2[%add3A_26] : memref<65536xi32, #tpu.memory_space<hbm>> -> memref<64xi32, #tpu.memory_space<hbm>>
        tpu.enqueue_dma source(%dma_start3A_40 : memref<64xi32, #tpu.memory_space<hbm>>) target(%arg6 : memref<64xi32, #tpu.memory_space<vmem>>) target_semaphore(%run_scoped3A : memref<!tpu.dma_semaphore, #tpu.memory_space<semaphore_mem>>)
        %dma_wait3A_41 = tpu.memref_slice %arg2[%add3A_26] : memref<65536xi32, #tpu.memory_space<hbm>> -> memref<64xi32, #tpu.memory_space<hbm>>
        %dma_wait3A_42 = tpu.memref_slice %arg2[%add3A_26] : memref<65536xi32, #tpu.memory_space<hbm>> -> memref<64xi32, #tpu.memory_space<hbm>>
        tpu.wait_dma2 semaphore(%run_scoped3A : memref<!tpu.dma_semaphore, #tpu.memory_space<semaphore_mem>>) src(%dma_wait3A_42 : memref<64xi32, #tpu.memory_space<hbm>>) dst(%arg6 : memref<64xi32, #tpu.memory_space<vmem>>)
        tpu.yield
      }) : () -> ()
      %dma_start3A_27 = arith.constant 0 : i32
      %dma_start3A_28 = arith.constant 0 : i32
      %dma_start3A_29 = tpu.memref_slice %arg3[%dma_start3A_27, %dma_start3A_28] : memref<50257x768xf32, #tpu.memory_space<hbm>> -> memref<50257x768xf32, #tpu.memory_space<hbm>>
      tpu.enqueue_indirect_dma source(%dma_start3A_29 : memref<50257x768xf32, #tpu.memory_space<hbm>>) target(%arg7 : memref<64x768xf32, #tpu.memory_space<vmem>>) offsets(%arg6 : memref<64xi32, #tpu.memory_space<vmem>>) semaphore(%arg9 : memref<!tpu.dma_semaphore, #tpu.memory_space<semaphore_mem>>)
      %dma_wait3A_30 = arith.constant 0 : i32
      %dma_wait3A_31 = arith.constant 0 : i32
      %dma_wait3A_32 = tpu.memref_slice %arg3[%dma_wait3A_30, %dma_wait3A_31] : memref<50257x768xf32, #tpu.memory_space<hbm>> -> memref<50257x768xf32, #tpu.memory_space<hbm>>
      tpu.wait_indirect_dma semaphore(%arg9 : memref<!tpu.dma_semaphore, #tpu.memory_space<semaphore_mem>>) src(%dma_wait3A_32 : memref<50257x768xf32, #tpu.memory_space<hbm>>) dst(%arg7 : memref<64x768xf32, #tpu.memory_space<vmem>>)
      %scan3A_33 = arith.constant 0 : i32
      %scan3A_34 = arith.constant 0 : i32
      %scan3A_35 = arith.constant 64 : i32
      %scan3A_36 = arith.addi %scan3A_34, %scan3A_35 : i32
      %scan3A_37 = arith.constant 1 : i32
      scf.for %scan3A_39 = %scan3A_34 to %scan3A_36 step %scan3A_37  : i32 {
        %get3A = arith.index_cast %scan3A_39 : i32 to index
        %get3A_40 = arith.constant 0 : index
        %get3A_41 = tpu.vector_load %arg8[%get3A, %get3A_40] {strides = array<i32>} : memref<64x768xf32, #tpu.memory_space<vmem>>, vector<1x16xf32>,
        %get3A_42 = vector.shape_cast %get3A_41 : vector<1x16xf32> to vector<16xf32>
        %swap3A = arith.index_cast %scan3A_39 : i32 to index
        %swap3A_43 = arith.constant 0 : index
        %swap3A_44 = tpu.vector_load %arg7[%swap3A, %swap3A_43] {strides = array<i32>} : memref<64x768xf32, #tpu.memory_space<vmem>>, vector<1x16xf32>,
        %swap3A_45 = vector.shape_cast %swap3A_44 : vector<1x16xf32> to vector<16xf32>
        %swap3A_46 = vector.shape_cast %get3A_42 : vector<16xf32> to vector<1x16xf32>
        tpu.vector_store %arg7[%swap3A, %swap3A_43], %swap3A_46 {add = true, strides = array<i32>} : memref<64x768xf32, #tpu.memory_space<vmem>>, vector<1x16xf32>,
        %get3A_47 = arith.index_cast %scan3A_39 : i32 to index
        %get3A_48 = arith.constant 16 : index
        %get3A_49 = tpu.vector_load %arg8[%get3A_47, %get3A_48] {strides = array<i32>} : memref<64x768xf32, #tpu.memory_space<vmem>>, vector<1x16xf32>,
        %get3A_50 = vector.shape_cast %get3A_49 : vector<1x16xf32> to vector<16xf32>
        %swap3A_51 = arith.index_cast %scan3A_39 : i32 to index
        %swap3A_52 = arith.constant 16 : index
        %swap3A_53 = tpu.vector_load %arg7[%swap3A_51, %swap3A_52] {strides = array<i32>} : memref<64x768xf32, #tpu.memory_space<vmem>>, vector<1x16xf32>,
        %swap3A_54 = vector.shape_cast %swap3A_53 : vector<1x16xf32> to vector<16xf32>
        %swap3A_55 = vector.shape_cast %get3A_50 : vector<16xf32> to vector<1x16xf32>
        tpu.vector_store %arg7[%swap3A_51, %swap3A_52], %swap3A_55 {add = true, strides = array<i32>} : memref<64x768xf32, #tpu.memory_space<vmem>>, vector<1x16xf32>,
        %get3A_56 = arith.index_cast %scan3A_39 : i32 to index
        %get3A_57 = arith.constant 32 : index
        %get3A_58 = tpu.vector_load %arg8[%get3A_56, %get3A_57] {strides = array<i32>} : memref<64x768xf32, #tpu.memory_space<vmem>>, vector<1x16xf32>,
        %get3A_59 = vector.shape_cast %get3A_58 : vector<1x16xf32> to vector<16xf32>
        %swap3A_60 = arith.index_cast %scan3A_39 : i32 to index
        %swap3A_61 = arith.constant 32 : index
        %swap3A_62 = tpu.vector_load %arg7[%swap3A_60, %swap3A_61] {strides = array<i32>} : memref<64x768xf32, #tpu.memory_space<vmem>>, vector<1x16xf32>,
        %swap3A_63 = vector.shape_cast %swap3A_62 : vector<1x16xf32> to vector<16xf32>
        %swap3A_64 = vector.shape_cast %get3A_59 : vector<16xf32> to vector<1x16xf32>
        tpu.vector_store %arg7[%swap3A_60, %swap3A_61], %swap3A_64 {add = true, strides = array<i32>} : memref<64x768xf32, #tpu.memory_space<vmem>>, vector<1x16xf32>,
        %get3A_65 = arith.index_cast %scan3A_39 : i32 to index
        %get3A_66 = arith.constant 48 : index
        %get3A_67 = tpu.vector_load %arg8[%get3A_65, %get3A_66] {strides = array<i32>} : memref<64x768xf32, #tpu.memory_space<vmem>>, vector<1x16xf32>,
        %get3A_68 = vector.shape_cast %get3A_67 : vector<1x16xf32> to vector<16xf32>
        %swap3A_69 = arith.index_cast %scan3A_39 : i32 to index
        %swap3A_70 = arith.constant 48 : index
        %swap3A_71 = tpu.vector_load %arg7[%swap3A_69, %swap3A_70] {strides = array<i32>} : memref<64x768xf32, #tpu.memory_space<vmem>>, vector<1x16xf32>,
        %swap3A_72 = vector.shape_cast %swap3A_71 : vector<1x16xf32> to vector<16xf32>
        %swap3A_73 = vector.shape_cast %get3A_68 : vector<16xf32> to vector<1x16xf32>
        tpu.vector_store %arg7[%swap3A_69, %swap3A_70], %swap3A_73 {add = true, strides = array<i32>} : memref<64x768xf32, #tpu.memory_space<vmem>>, vector<1x16xf32>,
        %get3A_74 = arith.index_cast %scan3A_39 : i32 to index
        %get3A_75 = arith.constant 64 : index
        %get3A_76 = tpu.vector_load %arg8[%get3A_74, %get3A_75] {strides = array<i32>} : memref<64x768xf32, #tpu.memory_space<vmem>>, vector<1x16xf32>,
        %get3A_77 = vector.shape_cast %get3A_76 : vector<1x16xf32> to vector<16xf32>
        %swap3A_78 = arith.index_cast %scan3A_39 : i32 to index
        %swap3A_79 = arith.constant 64 : index
        %swap3A_80 = tpu.vector_load %arg7[%swap3A_78, %swap3A_79] {strides = array<i32>} : memref<64x768xf32, #tpu.memory_space<vmem>>, vector<1x16xf32>,
        %swap3A_81 = vector.shape_cast %swap3A_80 : vector<1x16xf32> to vector<16xf32>
        %swap3A_82 = vector.shape_cast %get3A_77 : vector<16xf32> to vector<1x16xf32>
        tpu.vector_store %arg7[%swap3A_78, %swap3A_79], %swap3A_82 {add = true, strides = array<i32>} : memref<64x768xf32, #tpu.memory_space<vmem>>, vector<1x16xf32>,
        %get3A_83 = arith.index_cast %scan3A_39 : i32 to index
        %get3A_84 = arith.constant 80 : index
        %get3A_85 = tpu.vector_load %arg8[%get3A_83, %get3A_84] {strides = array<i32>} : memref<64x768xf32, #tpu.memory_space<vmem>>, vector<1x16xf32>,
        %get3A_86 = vector.shape_cast %get3A_85 : vector<1x16xf32> to vector<16xf32>
        %swap3A_87 = arith.index_cast %scan3A_39 : i32 to index
        %swap3A_88 = arith.constant 80 : index
        %swap3A_89 = tpu.vector_load %arg7[%swap3A_87, %swap3A_88] {strides = array<i32>} : memref<64x768xf32, #tpu.memory_space<vmem>>, vector<1x16xf32>,
        %swap3A_90 = vector.shape_cast %swap3A_89 : vector<1x16xf32> to vector<16xf32>
        %swap3A_91 = vector.shape_cast %get3A_86 : vector<16xf32> to vector<1x16xf32>
        tpu.vector_store %arg7[%swap3A_87, %swap3A_88], %swap3A_91 {add = true, strides = array<i32>} : memref<64x768xf32, #tpu.memory_space<vmem>>, vector<1x16xf32>,
        %get3A_92 = arith.index_cast %scan3A_39 : i32 to index
        %get3A_93 = arith.constant 96 : index
        %get3A_94 = tpu.vector_load %arg8[%get3A_92, %get3A_93] {strides = array<i32>} : memref<64x768xf32, #tpu.memory_space<vmem>>, vector<1x16xf32>,
        %get3A_95 = vector.shape_cast %get3A_94 : vector<1x16xf32> to vector<16xf32>
        %swap3A_96 = arith.index_cast %scan3A_39 : i32 to index
        %swap3A_97 = arith.constant 96 : index
        %swap3A_98 = tpu.vector_load %arg7[%swap3A_96, %swap3A_97] {strides = array<i32>} : memref<64x768xf32, #tpu.memory_space<vmem>>, vector<1x16xf32>,
        %swap3A_99 = vector.shape_cast %swap3A_98 : vector<1x16xf32> to vector<16xf32>
        %swap3A_100 = vector.shape_cast %get3A_95 : vector<16xf32> to vector<1x16xf32>
        tpu.vector_store %arg7[%swap3A_96, %swap3A_97], %swap3A_100 {add = true, strides = array<i32>} : memref<64x768xf32, #tpu.memory_space<vmem>>, vector<1x16xf32>,
        %get3A_101 = arith.index_cast %scan3A_39 : i32 to index
        %get3A_102 = arith.constant 112 : index
        %get3A_103 = tpu.vector_load %arg8[%get3A_101, %get3A_102] {strides = array<i32>} : memref<64x768xf32, #tpu.memory_space<vmem>>, vector<1x16xf32>,
        %get3A_104 = vector.shape_cast %get3A_103 : vector<1x16xf32> to vector<16xf32>
        %swap3A_105 = arith.index_cast %scan3A_39 : i32 to index
        %swap3A_106 = arith.constant 112 : index
        %swap3A_107 = tpu.vector_load %arg7[%swap3A_105, %swap3A_106] {strides = array<i32>} : memref<64x768xf32, #tpu.memory_space<vmem>>, vector<1x16xf32>,
        %swap3A_108 = vector.shape_cast %swap3A_107 : vector<1x16xf32> to vector<16xf32>
        %swap3A_109 = vector.shape_cast %get3A_104 : vector<16xf32> to vector<1x16xf32>
        tpu.vector_store %arg7[%swap3A_105, %swap3A_106], %swap3A_109 {add = true, strides = array<i32>} : memref<64x768xf32, #tpu.memory_space<vmem>>, vector<1x16xf32>,
        %get3A_110 = arith.index_cast %scan3A_39 : i32 to index
        %get3A_111 = arith.constant 128 : index
        %get3A_112 = tpu.vector_load %arg8[%get3A_110, %get3A_111] {strides = array<i32>} : memref<64x768xf32, #tpu.memory_space<vmem>>, vector<1x16xf32>,
        %get3A_113 = vector.shape_cast %get3A_112 : vector<1x16xf32> to vector<16xf32>
        %swap3A_114 = arith.index_cast %scan3A_39 : i32 to index
        %swap3A_115 = arith.constant 128 : index
        %swap3A_116 = tpu.vector_load %arg7[%swap3A_114, %swap3A_115] {strides = array<i32>} : memref<64x768xf32, #tpu.memory_space<vmem>>, vector<1x16xf32>,
        %swap3A_117 = vector.shape_cast %swap3A_116 : vector<1x16xf32> to vector<16xf32>
        %swap3A_118 = vector.shape_cast %get3A_113 : vector<16xf32> to vector<1x16xf32>
        tpu.vector_store %arg7[%swap3A_114, %swap3A_115], %swap3A_118 {add = true, strides = array<i32>} : memref<64x768xf32, #tpu.memory_space<vmem>>, vector<1x16xf32>,
        %get3A_119 = arith.index_cast %scan3A_39 : i32 to index
        %get3A_120 = arith.constant 144 : index
        %get3A_121 = tpu.vector_load %arg8[%get3A_119, %get3A_120] {strides = array<i32>} : memref<64x768xf32, #tpu.memory_space<vmem>>, vector<1x16xf32>,
        %get3A_122 = vector.shape_cast %get3A_121 : vector<1x16xf32> to vector<16xf32>
        %swap3A_123 = arith.index_cast %scan3A_39 : i32 to index
        %swap3A_124 = arith.constant 144 : index
        %swap3A_125 = tpu.vector_load %arg7[%swap3A_123, %swap3A_124] {strides = array<i32>} : memref<64x768xf32, #tpu.memory_space<vmem>>, vector<1x16xf32>,
        %swap3A_126 = vector.shape_cast %swap3A_125 : vector<1x16xf32> to vector<16xf32>
        %swap3A_127 = vector.shape_cast %get3A_122 : vector<16xf32> to vector<1x16xf32>
        tpu.vector_store %arg7[%swap3A_123, %swap3A_124], %swap3A_127 {add = true, strides = array<i32>} : memref<64x768xf32, #tpu.memory_space<vmem>>, vector<1x16xf32>,
        %get3A_128 = arith.index_cast %scan3A_39 : i32 to index
        %get3A_129 = arith.constant 160 : index
        %get3A_130 = tpu.vector_load %arg8[%get3A_128, %get3A_129] {strides = array<i32>} : memref<64x768xf32, #tpu.memory_space<vmem>>, vector<1x16xf32>,
        %get3A_131 = vector.shape_cast %get3A_130 : vector<1x16xf32> to vector<16xf32>
        %swap3A_132 = arith.index_cast %scan3A_39 : i32 to index
        %swap3A_133 = arith.constant 160 : index
        %swap3A_134 = tpu.vector_load %arg7[%swap3A_132, %swap3A_133] {strides = array<i32>} : memref<64x768xf32, #tpu.memory_space<vmem>>, vector<1x16xf32>,
        %swap3A_135 = vector.shape_cast %swap3A_134 : vector<1x16xf32> to vector<16xf32>
        %swap3A_136 = vector.shape_cast %get3A_131 : vector<16xf32> to vector<1x16xf32>
        tpu.vector_store %arg7[%swap3A_132, %swap3A_133], %swap3A_136 {add = true, strides = array<i32>} : memref<64x768xf32, #tpu.memory_space<vmem>>, vector<1x16xf32>,
        %get3A_137 = arith.index_cast %scan3A_39 : i32 to index
        %get3A_138 = arith.constant 176 : index
        %get3A_139 = tpu.vector_load %arg8[%get3A_137, %get3A_138] {strides = array<i32>} : memref<64x768xf32, #tpu.memory_space<vmem>>, vector<1x16xf32>,
        %get3A_140 = vector.shape_cast %get3A_139 : vector<1x16xf32> to vector<16xf32>
        %swap3A_141 = arith.index_cast %scan3A_39 : i32 to index
        %swap3A_142 = arith.constant 176 : index
        %swap3A_143 = tpu.vector_load %arg7[%swap3A_141, %swap3A_142] {strides = array<i32>} : memref<64x768xf32, #tpu.memory_space<vmem>>, vector<1x16xf32>,
        %swap3A_144 = vector.shape_cast %swap3A_143 : vector<1x16xf32> to vector<16xf32>
        %swap3A_145 = vector.shape_cast %get3A_140 : vector<16xf32> to vector<1x16xf32>
        tpu.vector_store %arg7[%swap3A_141, %swap3A_142], %swap3A_145 {add = true, strides = array<i32>} : memref<64x768xf32, #tpu.memory_space<vmem>>, vector<1x16xf32>,
        %get3A_146 = arith.index_cast %scan3A_39 : i32 to index
        %get3A_147 = arith.constant 192 : index
        %get3A_148 = tpu.vector_load %arg8[%get3A_146, %get3A_147] {strides = array<i32>} : memref<64x768xf32, #tpu.memory_space<vmem>>, vector<1x16xf32>,
        %get3A_149 = vector.shape_cast %get3A_148 : vector<1x16xf32> to vector<16xf32>
        %swap3A_150 = arith.index_cast %scan3A_39 : i32 to index
        %swap3A_151 = arith.constant 192 : index
        %swap3A_152 = tpu.vector_load %arg7[%swap3A_150, %swap3A_151] {strides = array<i32>} : memref<64x768xf32, #tpu.memory_space<vmem>>, vector<1x16xf32>,
        %swap3A_153 = vector.shape_cast %swap3A_152 : vector<1x16xf32> to vector<16xf32>
        %swap3A_154 = vector.shape_cast %get3A_149 : vector<16xf32> to vector<1x16xf32>
        tpu.vector_store %arg7[%swap3A_150, %swap3A_151], %swap3A_154 {add = true, strides = array<i32>} : memref<64x768xf32, #tpu.memory_space<vmem>>, vector<1x16xf32>,
        %get3A_155 = arith.index_cast %scan3A_39 : i32 to index
        %get3A_156 = arith.constant 208 : index
        %get3A_157 = tpu.vector_load %arg8[%get3A_155, %get3A_156] {strides = array<i32>} : memref<64x768xf32, #tpu.memory_space<vmem>>, vector<1x16xf32>,
        %get3A_158 = vector.shape_cast %get3A_157 : vector<1x16xf32> to vector<16xf32>
        %swap3A_159 = arith.index_cast %scan3A_39 : i32 to index
        %swap3A_160 = arith.constant 208 : index
        %swap3A_161 = tpu.vector_load %arg7[%swap3A_159, %swap3A_160] {strides = array<i32>} : memref<64x768xf32, #tpu.memory_space<vmem>>, vector<1x16xf32>,
        %swap3A_162 = vector.shape_cast %swap3A_161 : vector<1x16xf32> to vector<16xf32>
        %swap3A_163 = vector.shape_cast %get3A_158 : vector<16xf32> to vector<1x16xf32>
        tpu.vector_store %arg7[%swap3A_159, %swap3A_160], %swap3A_163 {add = true, strides = array<i32>} : memref<64x768xf32, #tpu.memory_space<vmem>>, vector<1x16xf32>,
        %get3A_164 = arith.index_cast %scan3A_39 : i32 to index
        %get3A_165 = arith.constant 224 : index
        %get3A_166 = tpu.vector_load %arg8[%get3A_164, %get3A_165] {strides = array<i32>} : memref<64x768xf32, #tpu.memory_space<vmem>>, vector<1x16xf32>,
        %get3A_167 = vector.shape_cast %get3A_166 : vector<1x16xf32> to vector<16xf32>
        %swap3A_168 = arith.index_cast %scan3A_39 : i32 to index
        %swap3A_169 = arith.constant 224 : index
        %swap3A_170 = tpu.vector_load %arg7[%swap3A_168, %swap3A_169] {strides = array<i32>} : memref<64x768xf32, #tpu.memory_space<vmem>>, vector<1x16xf32>,
        %swap3A_171 = vector.shape_cast %swap3A_170 : vector<1x16xf32> to vector<16xf32>
        %swap3A_172 = vector.shape_cast %get3A_167 : vector<16xf32> to vector<1x16xf32>
        tpu.vector_store %arg7[%swap3A_168, %swap3A_169], %swap3A_172 {add = true, strides = array<i32>} : memref<64x768xf32, #tpu.memory_space<vmem>>, vector<1x16xf32>,
        %get3A_173 = arith.index_cast %scan3A_39 : i32 to index
        %get3A_174 = arith.constant 240 : index
        %get3A_175 = tpu.vector_load %arg8[%get3A_173, %get3A_174] {strides = array<i32>} : memref<64x768xf32, #tpu.memory_space<vmem>>, vector<1x16xf32>,
        %get3A_176 = vector.shape_cast %get3A_175 : vector<1x16xf32> to vector<16xf32>
        %swap3A_177 = arith.index_cast %scan3A_39 : i32 to index
        %swap3A_178 = arith.constant 240 : index
        %swap3A_179 = tpu.vector_load %arg7[%swap3A_177, %swap3A_178] {strides = array<i32>} : memref<64x768xf32, #tpu.memory_space<vmem>>, vector<1x16xf32>,
        %swap3A_180 = vector.shape_cast %swap3A_179 : vector<1x16xf32> to vector<16xf32>
        %swap3A_181 = vector.shape_cast %get3A_176 : vector<16xf32> to vector<1x16xf32>
        tpu.vector_store %arg7[%swap3A_177, %swap3A_178], %swap3A_181 {add = true, strides = array<i32>} : memref<64x768xf32, #tpu.memory_space<vmem>>, vector<1x16xf32>,
        %get3A_182 = arith.index_cast %scan3A_39 : i32 to index
        %get3A_183 = arith.constant 256 : index
        %get3A_184 = tpu.vector_load %arg8[%get3A_182, %get3A_183] {strides = array<i32>} : memref<64x768xf32, #tpu.memory_space<vmem>>, vector<1x16xf32>,
        %get3A_185 = vector.shape_cast %get3A_184 : vector<1x16xf32> to vector<16xf32>
        %swap3A_186 = arith.index_cast %scan3A_39 : i32 to index
        %swap3A_187 = arith.constant 256 : index
        %swap3A_188 = tpu.vector_load %arg7[%swap3A_186, %swap3A_187] {strides = array<i32>} : memref<64x768xf32, #tpu.memory_space<vmem>>, vector<1x16xf32>,
        %swap3A_189 = vector.shape_cast %swap3A_188 : vector<1x16xf32> to vector<16xf32>
        %swap3A_190 = vector.shape_cast %get3A_185 : vector<16xf32> to vector<1x16xf32>
        tpu.vector_store %arg7[%swap3A_186, %swap3A_187], %swap3A_190 {add = true, strides = array<i32>} : memref<64x768xf32, #tpu.memory_space<vmem>>, vector<1x16xf32>,
        %get3A_191 = arith.index_cast %scan3A_39 : i32 to index
        %get3A_192 = arith.constant 272 : index
        %get3A_193 = tpu.vector_load %arg8[%get3A_191, %get3A_192] {strides = array<i32>} : memref<64x768xf32, #tpu.memory_space<vmem>>, vector<1x16xf32>,
        %get3A_194 = vector.shape_cast %get3A_193 : vector<1x16xf32> to vector<16xf32>
        %swap3A_195 = arith.index_cast %scan3A_39 : i32 to index
        %swap3A_196 = arith.constant 272 : index
        %swap3A_197 = tpu.vector_load %arg7[%swap3A_195, %swap3A_196] {strides = array<i32>} : memref<64x768xf32, #tpu.memory_space<vmem>>, vector<1x16xf32>,
        %swap3A_198 = vector.shape_cast %swap3A_197 : vector<1x16xf32> to vector<16xf32>
        %swap3A_199 = vector.shape_cast %get3A_194 : vector<16xf32> to vector<1x16xf32>
        tpu.vector_store %arg7[%swap3A_195, %swap3A_196], %swap3A_199 {add = true, strides = array<i32>} : memref<64x768xf32, #tpu.memory_space<vmem>>, vector<1x16xf32>,
        %get3A_200 = arith.index_cast %scan3A_39 : i32 to index
        %get3A_201 = arith.constant 288 : index
        %get3A_202 = tpu.vector_load %arg8[%get3A_200, %get3A_201] {strides = array<i32>} : memref<64x768xf32, #tpu.memory_space<vmem>>, vector<1x16xf32>,
        %get3A_203 = vector.shape_cast %get3A_202 : vector<1x16xf32> to vector<16xf32>
        %swap3A_204 = arith.index_cast %scan3A_39 : i32 to index
        %swap3A_205 = arith.constant 288 : index
        %swap3A_206 = tpu.vector_load %arg7[%swap3A_204, %swap3A_205] {strides = array<i32>} : memref<64x768xf32, #tpu.memory_space<vmem>>, vector<1x16xf32>,
        %swap3A_207 = vector.shape_cast %swap3A_206 : vector<1x16xf32> to vector<16xf32>
        %swap3A_208 = vector.shape_cast %get3A_203 : vector<16xf32> to vector<1x16xf32>
        tpu.vector_store %arg7[%swap3A_204, %swap3A_205], %swap3A_208 {add = true, strides = array<i32>} : memref<64x768xf32, #tpu.memory_space<vmem>>, vector<1x16xf32>,
        %get3A_209 = arith.index_cast %scan3A_39 : i32 to index
        %get3A_210 = arith.constant 304 : index
        %get3A_211 = tpu.vector_load %arg8[%get3A_209, %get3A_210] {strides = array<i32>} : memref<64x768xf32, #tpu.memory_space<vmem>>, vector<1x16xf32>,
        %get3A_212 = vector.shape_cast %get3A_211 : vector<1x16xf32> to vector<16xf32>
        %swap3A_213 = arith.index_cast %scan3A_39 : i32 to index
        %swap3A_214 = arith.constant 304 : index
        %swap3A_215 = tpu.vector_load %arg7[%swap3A_213, %swap3A_214] {strides = array<i32>} : memref<64x768xf32, #tpu.memory_space<vmem>>, vector<1x16xf32>,
        %swap3A_216 = vector.shape_cast %swap3A_215 : vector<1x16xf32> to vector<16xf32>
        %swap3A_217 = vector.shape_cast %get3A_212 : vector<16xf32> to vector<1x16xf32>
        tpu.vector_store %arg7[%swap3A_213, %swap3A_214], %swap3A_217 {add = true, strides = array<i32>} : memref<64x768xf32, #tpu.memory_space<vmem>>, vector<1x16xf32>,
        %get3A_218 = arith.index_cast %scan3A_39 : i32 to index
        %get3A_219 = arith.constant 320 : index
        %get3A_220 = tpu.vector_load %arg8[%get3A_218, %get3A_219] {strides = array<i32>} : memref<64x768xf32, #tpu.memory_space<vmem>>, vector<1x16xf32>,
        %get3A_221 = vector.shape_cast %get3A_220 : vector<1x16xf32> to vector<16xf32>
        %swap3A_222 = arith.index_cast %scan3A_39 : i32 to index
        %swap3A_223 = arith.constant 320 : index
        %swap3A_224 = tpu.vector_load %arg7[%swap3A_222, %swap3A_223] {strides = array<i32>} : memref<64x768xf32, #tpu.memory_space<vmem>>, vector<1x16xf32>,
        %swap3A_225 = vector.shape_cast %swap3A_224 : vector<1x16xf32> to vector<16xf32>
        %swap3A_226 = vector.shape_cast %get3A_221 : vector<16xf32> to vector<1x16xf32>
        tpu.vector_store %arg7[%swap3A_222, %swap3A_223], %swap3A_226 {add = true, strides = array<i32>} : memref<64x768xf32, #tpu.memory_space<vmem>>, vector<1x16xf32>,
        %get3A_227 = arith.index_cast %scan3A_39 : i32 to index
        %get3A_228 = arith.constant 336 : index
        %get3A_229 = tpu.vector_load %arg8[%get3A_227, %get3A_228] {strides = array<i32>} : memref<64x768xf32, #tpu.memory_space<vmem>>, vector<1x16xf32>,
        %get3A_230 = vector.shape_cast %get3A_229 : vector<1x16xf32> to vector<16xf32>
        %swap3A_231 = arith.index_cast %scan3A_39 : i32 to index
        %swap3A_232 = arith.constant 336 : index
        %swap3A_233 = tpu.vector_load %arg7[%swap3A_231, %swap3A_232] {strides = array<i32>} : memref<64x768xf32, #tpu.memory_space<vmem>>, vector<1x16xf32>,
        %swap3A_234 = vector.shape_cast %swap3A_233 : vector<1x16xf32> to vector<16xf32>
        %swap3A_235 = vector.shape_cast %get3A_230 : vector<16xf32> to vector<1x16xf32>
        tpu.vector_store %arg7[%swap3A_231, %swap3A_232], %swap3A_235 {add = true, strides = array<i32>} : memref<64x768xf32, #tpu.memory_space<vmem>>, vector<1x16xf32>,
        %get3A_236 = arith.index_cast %scan3A_39 : i32 to index
        %get3A_237 = arith.constant 352 : index
        %get3A_238 = tpu.vector_load %arg8[%get3A_236, %get3A_237] {strides = array<i32>} : memref<64x768xf32, #tpu.memory_space<vmem>>, vector<1x16xf32>,
        %get3A_239 = vector.shape_cast %get3A_238 : vector<1x16xf32> to vector<16xf32>
        %swap3A_240 = arith.index_cast %scan3A_39 : i32 to index
        %swap3A_241 = arith.constant 352 : index
        %swap3A_242 = tpu.vector_load %arg7[%swap3A_240, %swap3A_241] {strides = array<i32>} : memref<64x768xf32, #tpu.memory_space<vmem>>, vector<1x16xf32>,
        %swap3A_243 = vector.shape_cast %swap3A_242 : vector<1x16xf32> to vector<16xf32>
        %swap3A_244 = vector.shape_cast %get3A_239 : vector<16xf32> to vector<1x16xf32>
        tpu.vector_store %arg7[%swap3A_240, %swap3A_241], %swap3A_244 {add = true, strides = array<i32>} : memref<64x768xf32, #tpu.memory_space<vmem>>, vector<1x16xf32>,
        %get3A_245 = arith.index_cast %scan3A_39 : i32 to index
        %get3A_246 = arith.constant 368 : index
        %get3A_247 = tpu.vector_load %arg8[%get3A_245, %get3A_246] {strides = array<i32>} : memref<64x768xf32, #tpu.memory_space<vmem>>, vector<1x16xf32>,
        %get3A_248 = vector.shape_cast %get3A_247 : vector<1x16xf32> to vector<16xf32>
        %swap3A_249 = arith.index_cast %scan3A_39 : i32 to index
        %swap3A_250 = arith.constant 368 : index
        %swap3A_251 = tpu.vector_load %arg7[%swap3A_249, %swap3A_250] {strides = array<i32>} : memref<64x768xf32, #tpu.memory_space<vmem>>, vector<1x16xf32>,
        %swap3A_252 = vector.shape_cast %swap3A_251 : vector<1x16xf32> to vector<16xf32>
        %swap3A_253 = vector.shape_cast %get3A_248 : vector<16xf32> to vector<1x16xf32>
        tpu.vector_store %arg7[%swap3A_249, %swap3A_250], %swap3A_253 {add = true, strides = array<i32>} : memref<64x768xf32, #tpu.memory_space<vmem>>, vector<1x16xf32>,
        %get3A_254 = arith.index_cast %scan3A_39 : i32 to index
        %get3A_255 = arith.constant 384 : index
        %get3A_256 = tpu.vector_load %arg8[%get3A_254, %get3A_255] {strides = array<i32>} : memref<64x768xf32, #tpu.memory_space<vmem>>, vector<1x16xf32>,
        %get3A_257 = vector.shape_cast %get3A_256 : vector<1x16xf32> to vector<16xf32>
        %swap3A_258 = arith.index_cast %scan3A_39 : i32 to index
        %swap3A_259 = arith.constant 384 : index
        %swap3A_260 = tpu.vector_load %arg7[%swap3A_258, %swap3A_259] {strides = array<i32>} : memref<64x768xf32, #tpu.memory_space<vmem>>, vector<1x16xf32>,
        %swap3A_261 = vector.shape_cast %swap3A_260 : vector<1x16xf32> to vector<16xf32>
        %swap3A_262 = vector.shape_cast %get3A_257 : vector<16xf32> to vector<1x16xf32>
        tpu.vector_store %arg7[%swap3A_258, %swap3A_259], %swap3A_262 {add = true, strides = array<i32>} : memref<64x768xf32, #tpu.memory_space<vmem>>, vector<1x16xf32>,
        %get3A_263 = arith.index_cast %scan3A_39 : i32 to index
        %get3A_264 = arith.constant 400 : index
        %get3A_265 = tpu.vector_load %arg8[%get3A_263, %get3A_264] {strides = array<i32>} : memref<64x768xf32, #tpu.memory_space<vmem>>, vector<1x16xf32>,
        %get3A_266 = vector.shape_cast %get3A_265 : vector<1x16xf32> to vector<16xf32>
        %swap3A_267 = arith.index_cast %scan3A_39 : i32 to index
        %swap3A_268 = arith.constant 400 : index
        %swap3A_269 = tpu.vector_load %arg7[%swap3A_267, %swap3A_268] {strides = array<i32>} : memref<64x768xf32, #tpu.memory_space<vmem>>, vector<1x16xf32>,
        %swap3A_270 = vector.shape_cast %swap3A_269 : vector<1x16xf32> to vector<16xf32>
        %swap3A_271 = vector.shape_cast %get3A_266 : vector<16xf32> to vector<1x16xf32>
        tpu.vector_store %arg7[%swap3A_267, %swap3A_268], %swap3A_271 {add = true, strides = array<i32>} : memref<64x768xf32, #tpu.memory_space<vmem>>, vector<1x16xf32>,
        %get3A_272 = arith.index_cast %scan3A_39 : i32 to index
        %get3A_273 = arith.constant 416 : index
        %get3A_274 = tpu.vector_load %arg8[%get3A_272, %get3A_273] {strides = array<i32>} : memref<64x768xf32, #tpu.memory_space<vmem>>, vector<1x16xf32>,
        %get3A_275 = vector.shape_cast %get3A_274 : vector<1x16xf32> to vector<16xf32>
        %swap3A_276 = arith.index_cast %scan3A_39 : i32 to index
        %swap3A_277 = arith.constant 416 : index
        %swap3A_278 = tpu.vector_load %arg7[%swap3A_276, %swap3A_277] {strides = array<i32>} : memref<64x768xf32, #tpu.memory_space<vmem>>, vector<1x16xf32>,
        %swap3A_279 = vector.shape_cast %swap3A_278 : vector<1x16xf32> to vector<16xf32>
        %swap3A_280 = vector.shape_cast %get3A_275 : vector<16xf32> to vector<1x16xf32>
        tpu.vector_store %arg7[%swap3A_276, %swap3A_277], %swap3A_280 {add = true, strides = array<i32>} : memref<64x768xf32, #tpu.memory_space<vmem>>, vector<1x16xf32>,
        %get3A_281 = arith.index_cast %scan3A_39 : i32 to index
        %get3A_282 = arith.constant 432 : index
        %get3A_283 = tpu.vector_load %arg8[%get3A_281, %get3A_282] {strides = array<i32>} : memref<64x768xf32, #tpu.memory_space<vmem>>, vector<1x16xf32>,
        %get3A_284 = vector.shape_cast %get3A_283 : vector<1x16xf32> to vector<16xf32>
        %swap3A_285 = arith.index_cast %scan3A_39 : i32 to index
        %swap3A_286 = arith.constant 432 : index
        %swap3A_287 = tpu.vector_load %arg7[%swap3A_285, %swap3A_286] {strides = array<i32>} : memref<64x768xf32, #tpu.memory_space<vmem>>, vector<1x16xf32>,
        %swap3A_288 = vector.shape_cast %swap3A_287 : vector<1x16xf32> to vector<16xf32>
        %swap3A_289 = vector.shape_cast %get3A_284 : vector<16xf32> to vector<1x16xf32>
        tpu.vector_store %arg7[%swap3A_285, %swap3A_286], %swap3A_289 {add = true, strides = array<i32>} : memref<64x768xf32, #tpu.memory_space<vmem>>, vector<1x16xf32>,
        %get3A_290 = arith.index_cast %scan3A_39 : i32 to index
        %get3A_291 = arith.constant 448 : index
        %get3A_292 = tpu.vector_load %arg8[%get3A_290, %get3A_291] {strides = array<i32>} : memref<64x768xf32, #tpu.memory_space<vmem>>, vector<1x16xf32>,
        %get3A_293 = vector.shape_cast %get3A_292 : vector<1x16xf32> to vector<16xf32>
        %swap3A_294 = arith.index_cast %scan3A_39 : i32 to index
        %swap3A_295 = arith.constant 448 : index
        %swap3A_296 = tpu.vector_load %arg7[%swap3A_294, %swap3A_295] {strides = array<i32>} : memref<64x768xf32, #tpu.memory_space<vmem>>, vector<1x16xf32>,
        %swap3A_297 = vector.shape_cast %swap3A_296 : vector<1x16xf32> to vector<16xf32>
        %swap3A_298 = vector.shape_cast %get3A_293 : vector<16xf32> to vector<1x16xf32>
        tpu.vector_store %arg7[%swap3A_294, %swap3A_295], %swap3A_298 {add = true, strides = array<i32>} : memref<64x768xf32, #tpu.memory_space<vmem>>, vector<1x16xf32>,
        %get3A_299 = arith.index_cast %scan3A_39 : i32 to index
        %get3A_300 = arith.constant 464 : index
        %get3A_301 = tpu.vector_load %arg8[%get3A_299, %get3A_300] {strides = array<i32>} : memref<64x768xf32, #tpu.memory_space<vmem>>, vector<1x16xf32>,
        %get3A_302 = vector.shape_cast %get3A_301 : vector<1x16xf32> to vector<16xf32>
        %swap3A_303 = arith.index_cast %scan3A_39 : i32 to index
        %swap3A_304 = arith.constant 464 : index
        %swap3A_305 = tpu.vector_load %arg7[%swap3A_303, %swap3A_304] {strides = array<i32>} : memref<64x768xf32, #tpu.memory_space<vmem>>, vector<1x16xf32>,
        %swap3A_306 = vector.shape_cast %swap3A_305 : vector<1x16xf32> to vector<16xf32>
        %swap3A_307 = vector.shape_cast %get3A_302 : vector<16xf32> to vector<1x16xf32>
        tpu.vector_store %arg7[%swap3A_303, %swap3A_304], %swap3A_307 {add = true, strides = array<i32>} : memref<64x768xf32, #tpu.memory_space<vmem>>, vector<1x16xf32>,
        %get3A_308 = arith.index_cast %scan3A_39 : i32 to index
        %get3A_309 = arith.constant 480 : index
        %get3A_310 = tpu.vector_load %arg8[%get3A_308, %get3A_309] {strides = array<i32>} : memref<64x768xf32, #tpu.memory_space<vmem>>, vector<1x16xf32>,
        %get3A_311 = vector.shape_cast %get3A_310 : vector<1x16xf32> to vector<16xf32>
        %swap3A_312 = arith.index_cast %scan3A_39 : i32 to index
        %swap3A_313 = arith.constant 480 : index
        %swap3A_314 = tpu.vector_load %arg7[%swap3A_312, %swap3A_313] {strides = array<i32>} : memref<64x768xf32, #tpu.memory_space<vmem>>, vector<1x16xf32>,
        %swap3A_315 = vector.shape_cast %swap3A_314 : vector<1x16xf32> to vector<16xf32>
        %swap3A_316 = vector.shape_cast %get3A_311 : vector<16xf32> to vector<1x16xf32>
        tpu.vector_store %arg7[%swap3A_312, %swap3A_313], %swap3A_316 {add = true, strides = array<i32>} : memref<64x768xf32, #tpu.memory_space<vmem>>, vector<1x16xf32>,
        %get3A_317 = arith.index_cast %scan3A_39 : i32 to index
        %get3A_318 = arith.constant 496 : index
        %get3A_319 = tpu.vector_load %arg8[%get3A_317, %get3A_318] {strides = array<i32>} : memref<64x768xf32, #tpu.memory_space<vmem>>, vector<1x16xf32>,
        %get3A_320 = vector.shape_cast %get3A_319 : vector<1x16xf32> to vector<16xf32>
        %swap3A_321 = arith.index_cast %scan3A_39 : i32 to index
        %swap3A_322 = arith.constant 496 : index
        %swap3A_323 = tpu.vector_load %arg7[%swap3A_321, %swap3A_322] {strides = array<i32>} : memref<64x768xf32, #tpu.memory_space<vmem>>, vector<1x16xf32>,
        %swap3A_324 = vector.shape_cast %swap3A_323 : vector<1x16xf32> to vector<16xf32>
        %swap3A_325 = vector.shape_cast %get3A_320 : vector<16xf32> to vector<1x16xf32>
        tpu.vector_store %arg7[%swap3A_321, %swap3A_322], %swap3A_325 {add = true, strides = array<i32>} : memref<64x768xf32, #tpu.memory_space<vmem>>, vector<1x16xf32>,
        %get3A_326 = arith.index_cast %scan3A_39 : i32 to index
        %get3A_327 = arith.constant 512 : index
        %get3A_328 = tpu.vector_load %arg8[%get3A_326, %get3A_327] {strides = array<i32>} : memref<64x768xf32, #tpu.memory_space<vmem>>, vector<1x16xf32>,
        %get3A_329 = vector.shape_cast %get3A_328 : vector<1x16xf32> to vector<16xf32>
        %swap3A_330 = arith.index_cast %scan3A_39 : i32 to index
        %swap3A_331 = arith.constant 512 : index
        %swap3A_332 = tpu.vector_load %arg7[%swap3A_330, %swap3A_331] {strides = array<i32>} : memref<64x768xf32, #tpu.memory_space<vmem>>, vector<1x16xf32>,
        %swap3A_333 = vector.shape_cast %swap3A_332 : vector<1x16xf32> to vector<16xf32>
        %swap3A_334 = vector.shape_cast %get3A_329 : vector<16xf32> to vector<1x16xf32>
        tpu.vector_store %arg7[%swap3A_330, %swap3A_331], %swap3A_334 {add = true, strides = array<i32>} : memref<64x768xf32, #tpu.memory_space<vmem>>, vector<1x16xf32>,
        %get3A_335 = arith.index_cast %scan3A_39 : i32 to index
        %get3A_336 = arith.constant 528 : index
        %get3A_337 = tpu.vector_load %arg8[%get3A_335, %get3A_336] {strides = array<i32>} : memref<64x768xf32, #tpu.memory_space<vmem>>, vector<1x16xf32>,
        %get3A_338 = vector.shape_cast %get3A_337 : vector<1x16xf32> to vector<16xf32>
        %swap3A_339 = arith.index_cast %scan3A_39 : i32 to index
        %swap3A_340 = arith.constant 528 : index
        %swap3A_341 = tpu.vector_load %arg7[%swap3A_339, %swap3A_340] {strides = array<i32>} : memref<64x768xf32, #tpu.memory_space<vmem>>, vector<1x16xf32>,
        %swap3A_342 = vector.shape_cast %swap3A_341 : vector<1x16xf32> to vector<16xf32>
        %swap3A_343 = vector.shape_cast %get3A_338 : vector<16xf32> to vector<1x16xf32>
        tpu.vector_store %arg7[%swap3A_339, %swap3A_340], %swap3A_343 {add = true, strides = array<i32>} : memref<64x768xf32, #tpu.memory_space<vmem>>, vector<1x16xf32>,
        %get3A_344 = arith.index_cast %scan3A_39 : i32 to index
        %get3A_345 = arith.constant 544 : index
        %get3A_346 = tpu.vector_load %arg8[%get3A_344, %get3A_345] {strides = array<i32>} : memref<64x768xf32, #tpu.memory_space<vmem>>, vector<1x16xf32>,
        %get3A_347 = vector.shape_cast %get3A_346 : vector<1x16xf32> to vector<16xf32>
        %swap3A_348 = arith.index_cast %scan3A_39 : i32 to index
        %swap3A_349 = arith.constant 544 : index
        %swap3A_350 = tpu.vector_load %arg7[%swap3A_348, %swap3A_349] {strides = array<i32>} : memref<64x768xf32, #tpu.memory_space<vmem>>, vector<1x16xf32>,
        %swap3A_351 = vector.shape_cast %swap3A_350 : vector<1x16xf32> to vector<16xf32>
        %swap3A_352 = vector.shape_cast %get3A_347 : vector<16xf32> to vector<1x16xf32>
        tpu.vector_store %arg7[%swap3A_348, %swap3A_349], %swap3A_352 {add = true, strides = array<i32>} : memref<64x768xf32, #tpu.memory_space<vmem>>, vector<1x16xf32>,
        %get3A_353 = arith.index_cast %scan3A_39 : i32 to index
        %get3A_354 = arith.constant 560 : index
        %get3A_355 = tpu.vector_load %arg8[%get3A_353, %get3A_354] {strides = array<i32>} : memref<64x768xf32, #tpu.memory_space<vmem>>, vector<1x16xf32>,
        %get3A_356 = vector.shape_cast %get3A_355 : vector<1x16xf32> to vector<16xf32>
        %swap3A_357 = arith.index_cast %scan3A_39 : i32 to index
        %swap3A_358 = arith.constant 560 : index
        %swap3A_359 = tpu.vector_load %arg7[%swap3A_357, %swap3A_358] {strides = array<i32>} : memref<64x768xf32, #tpu.memory_space<vmem>>, vector<1x16xf32>,
        %swap3A_360 = vector.shape_cast %swap3A_359 : vector<1x16xf32> to vector<16xf32>
        %swap3A_361 = vector.shape_cast %get3A_356 : vector<16xf32> to vector<1x16xf32>
        tpu.vector_store %arg7[%swap3A_357, %swap3A_358], %swap3A_361 {add = true, strides = array<i32>} : memref<64x768xf32, #tpu.memory_space<vmem>>, vector<1x16xf32>,
        %get3A_362 = arith.index_cast %scan3A_39 : i32 to index
        %get3A_363 = arith.constant 576 : index
        %get3A_364 = tpu.vector_load %arg8[%get3A_362, %get3A_363] {strides = array<i32>} : memref<64x768xf32, #tpu.memory_space<vmem>>, vector<1x16xf32>,
        %get3A_365 = vector.shape_cast %get3A_364 : vector<1x16xf32> to vector<16xf32>
        %swap3A_366 = arith.index_cast %scan3A_39 : i32 to index
        %swap3A_367 = arith.constant 576 : index
        %swap3A_368 = tpu.vector_load %arg7[%swap3A_366, %swap3A_367] {strides = array<i32>} : memref<64x768xf32, #tpu.memory_space<vmem>>, vector<1x16xf32>,
        %swap3A_369 = vector.shape_cast %swap3A_368 : vector<1x16xf32> to vector<16xf32>
        %swap3A_370 = vector.shape_cast %get3A_365 : vector<16xf32> to vector<1x16xf32>
        tpu.vector_store %arg7[%swap3A_366, %swap3A_367], %swap3A_370 {add = true, strides = array<i32>} : memref<64x768xf32, #tpu.memory_space<vmem>>, vector<1x16xf32>,
        %get3A_371 = arith.index_cast %scan3A_39 : i32 to index
        %get3A_372 = arith.constant 592 : index
        %get3A_373 = tpu.vector_load %arg8[%get3A_371, %get3A_372] {strides = array<i32>} : memref<64x768xf32, #tpu.memory_space<vmem>>, vector<1x16xf32>,
        %get3A_374 = vector.shape_cast %get3A_373 : vector<1x16xf32> to vector<16xf32>
        %swap3A_375 = arith.index_cast %scan3A_39 : i32 to index
        %swap3A_376 = arith.constant 592 : index
        %swap3A_377 = tpu.vector_load %arg7[%swap3A_375, %swap3A_376] {strides = array<i32>} : memref<64x768xf32, #tpu.memory_space<vmem>>, vector<1x16xf32>,
        %swap3A_378 = vector.shape_cast %swap3A_377 : vector<1x16xf32> to vector<16xf32>
        %swap3A_379 = vector.shape_cast %get3A_374 : vector<16xf32> to vector<1x16xf32>
        tpu.vector_store %arg7[%swap3A_375, %swap3A_376], %swap3A_379 {add = true, strides = array<i32>} : memref<64x768xf32, #tpu.memory_space<vmem>>, vector<1x16xf32>,
        %get3A_380 = arith.index_cast %scan3A_39 : i32 to index
        %get3A_381 = arith.constant 608 : index
        %get3A_382 = tpu.vector_load %arg8[%get3A_380, %get3A_381] {strides = array<i32>} : memref<64x768xf32, #tpu.memory_space<vmem>>, vector<1x16xf32>,
        %get3A_383 = vector.shape_cast %get3A_382 : vector<1x16xf32> to vector<16xf32>
        %swap3A_384 = arith.index_cast %scan3A_39 : i32 to index
        %swap3A_385 = arith.constant 608 : index
        %swap3A_386 = tpu.vector_load %arg7[%swap3A_384, %swap3A_385] {strides = array<i32>} : memref<64x768xf32, #tpu.memory_space<vmem>>, vector<1x16xf32>,
        %swap3A_387 = vector.shape_cast %swap3A_386 : vector<1x16xf32> to vector<16xf32>
        %swap3A_388 = vector.shape_cast %get3A_383 : vector<16xf32> to vector<1x16xf32>
        tpu.vector_store %arg7[%swap3A_384, %swap3A_385], %swap3A_388 {add = true, strides = array<i32>} : memref<64x768xf32, #tpu.memory_space<vmem>>, vector<1x16xf32>,
        %get3A_389 = arith.index_cast %scan3A_39 : i32 to index
        %get3A_390 = arith.constant 624 : index
        %get3A_391 = tpu.vector_load %arg8[%get3A_389, %get3A_390] {strides = array<i32>} : memref<64x768xf32, #tpu.memory_space<vmem>>, vector<1x16xf32>,
        %get3A_392 = vector.shape_cast %get3A_391 : vector<1x16xf32> to vector<16xf32>
        %swap3A_393 = arith.index_cast %scan3A_39 : i32 to index
        %swap3A_394 = arith.constant 624 : index
        %swap3A_395 = tpu.vector_load %arg7[%swap3A_393, %swap3A_394] {strides = array<i32>} : memref<64x768xf32, #tpu.memory_space<vmem>>, vector<1x16xf32>,
        %swap3A_396 = vector.shape_cast %swap3A_395 : vector<1x16xf32> to vector<16xf32>
        %swap3A_397 = vector.shape_cast %get3A_392 : vector<16xf32> to vector<1x16xf32>
        tpu.vector_store %arg7[%swap3A_393, %swap3A_394], %swap3A_397 {add = true, strides = array<i32>} : memref<64x768xf32, #tpu.memory_space<vmem>>, vector<1x16xf32>,
        %get3A_398 = arith.index_cast %scan3A_39 : i32 to index
        %get3A_399 = arith.constant 640 : index
        %get3A_400 = tpu.vector_load %arg8[%get3A_398, %get3A_399] {strides = array<i32>} : memref<64x768xf32, #tpu.memory_space<vmem>>, vector<1x16xf32>,
        %get3A_401 = vector.shape_cast %get3A_400 : vector<1x16xf32> to vector<16xf32>
        %swap3A_402 = arith.index_cast %scan3A_39 : i32 to index
        %swap3A_403 = arith.constant 640 : index
        %swap3A_404 = tpu.vector_load %arg7[%swap3A_402, %swap3A_403] {strides = array<i32>} : memref<64x768xf32, #tpu.memory_space<vmem>>, vector<1x16xf32>,
        %swap3A_405 = vector.shape_cast %swap3A_404 : vector<1x16xf32> to vector<16xf32>
        %swap3A_406 = vector.shape_cast %get3A_401 : vector<16xf32> to vector<1x16xf32>
        tpu.vector_store %arg7[%swap3A_402, %swap3A_403], %swap3A_406 {add = true, strides = array<i32>} : memref<64x768xf32, #tpu.memory_space<vmem>>, vector<1x16xf32>,
        %get3A_407 = arith.index_cast %scan3A_39 : i32 to index
        %get3A_408 = arith.constant 656 : index
        %get3A_409 = tpu.vector_load %arg8[%get3A_407, %get3A_408] {strides = array<i32>} : memref<64x768xf32, #tpu.memory_space<vmem>>, vector<1x16xf32>,
        %get3A_410 = vector.shape_cast %get3A_409 : vector<1x16xf32> to vector<16xf32>
        %swap3A_411 = arith.index_cast %scan3A_39 : i32 to index
        %swap3A_412 = arith.constant 656 : index
        %swap3A_413 = tpu.vector_load %arg7[%swap3A_411, %swap3A_412] {strides = array<i32>} : memref<64x768xf32, #tpu.memory_space<vmem>>, vector<1x16xf32>,
        %swap3A_414 = vector.shape_cast %swap3A_413 : vector<1x16xf32> to vector<16xf32>
        %swap3A_415 = vector.shape_cast %get3A_410 : vector<16xf32> to vector<1x16xf32>
        tpu.vector_store %arg7[%swap3A_411, %swap3A_412], %swap3A_415 {add = true, strides = array<i32>} : memref<64x768xf32, #tpu.memory_space<vmem>>, vector<1x16xf32>,
        %get3A_416 = arith.index_cast %scan3A_39 : i32 to index
        %get3A_417 = arith.constant 672 : index
        %get3A_418 = tpu.vector_load %arg8[%get3A_416, %get3A_417] {strides = array<i32>} : memref<64x768xf32, #tpu.memory_space<vmem>>, vector<1x16xf32>,
        %get3A_419 = vector.shape_cast %get3A_418 : vector<1x16xf32> to vector<16xf32>
        %swap3A_420 = arith.index_cast %scan3A_39 : i32 to index
        %swap3A_421 = arith.constant 672 : index
        %swap3A_422 = tpu.vector_load %arg7[%swap3A_420, %swap3A_421] {strides = array<i32>} : memref<64x768xf32, #tpu.memory_space<vmem>>, vector<1x16xf32>,
        %swap3A_423 = vector.shape_cast %swap3A_422 : vector<1x16xf32> to vector<16xf32>
        %swap3A_424 = vector.shape_cast %get3A_419 : vector<16xf32> to vector<1x16xf32>
        tpu.vector_store %arg7[%swap3A_420, %swap3A_421], %swap3A_424 {add = true, strides = array<i32>} : memref<64x768xf32, #tpu.memory_space<vmem>>, vector<1x16xf32>,
        %get3A_425 = arith.index_cast %scan3A_39 : i32 to index
        %get3A_426 = arith.constant 688 : index
        %get3A_427 = tpu.vector_load %arg8[%get3A_425, %get3A_426] {strides = array<i32>} : memref<64x768xf32, #tpu.memory_space<vmem>>, vector<1x16xf32>,
        %get3A_428 = vector.shape_cast %get3A_427 : vector<1x16xf32> to vector<16xf32>
        %swap3A_429 = arith.index_cast %scan3A_39 : i32 to index
        %swap3A_430 = arith.constant 688 : index
        %swap3A_431 = tpu.vector_load %arg7[%swap3A_429, %swap3A_430] {strides = array<i32>} : memref<64x768xf32, #tpu.memory_space<vmem>>, vector<1x16xf32>,
        %swap3A_432 = vector.shape_cast %swap3A_431 : vector<1x16xf32> to vector<16xf32>
        %swap3A_433 = vector.shape_cast %get3A_428 : vector<16xf32> to vector<1x16xf32>
        tpu.vector_store %arg7[%swap3A_429, %swap3A_430], %swap3A_433 {add = true, strides = array<i32>} : memref<64x768xf32, #tpu.memory_space<vmem>>, vector<1x16xf32>,
        %get3A_434 = arith.index_cast %scan3A_39 : i32 to index
        %get3A_435 = arith.constant 704 : index
        %get3A_436 = tpu.vector_load %arg8[%get3A_434, %get3A_435] {strides = array<i32>} : memref<64x768xf32, #tpu.memory_space<vmem>>, vector<1x16xf32>,
        %get3A_437 = vector.shape_cast %get3A_436 : vector<1x16xf32> to vector<16xf32>
        %swap3A_438 = arith.index_cast %scan3A_39 : i32 to index
        %swap3A_439 = arith.constant 704 : index
        %swap3A_440 = tpu.vector_load %arg7[%swap3A_438, %swap3A_439] {strides = array<i32>} : memref<64x768xf32, #tpu.memory_space<vmem>>, vector<1x16xf32>,
        %swap3A_441 = vector.shape_cast %swap3A_440 : vector<1x16xf32> to vector<16xf32>
        %swap3A_442 = vector.shape_cast %get3A_437 : vector<16xf32> to vector<1x16xf32>
        tpu.vector_store %arg7[%swap3A_438, %swap3A_439], %swap3A_442 {add = true, strides = array<i32>} : memref<64x768xf32, #tpu.memory_space<vmem>>, vector<1x16xf32>,
        %get3A_443 = arith.index_cast %scan3A_39 : i32 to index
        %get3A_444 = arith.constant 720 : index
        %get3A_445 = tpu.vector_load %arg8[%get3A_443, %get3A_444] {strides = array<i32>} : memref<64x768xf32, #tpu.memory_space<vmem>>, vector<1x16xf32>,
        %get3A_446 = vector.shape_cast %get3A_445 : vector<1x16xf32> to vector<16xf32>
        %swap3A_447 = arith.index_cast %scan3A_39 : i32 to index
        %swap3A_448 = arith.constant 720 : index
        %swap3A_449 = tpu.vector_load %arg7[%swap3A_447, %swap3A_448] {strides = array<i32>} : memref<64x768xf32, #tpu.memory_space<vmem>>, vector<1x16xf32>,
        %swap3A_450 = vector.shape_cast %swap3A_449 : vector<1x16xf32> to vector<16xf32>
        %swap3A_451 = vector.shape_cast %get3A_446 : vector<16xf32> to vector<1x16xf32>
        tpu.vector_store %arg7[%swap3A_447, %swap3A_448], %swap3A_451 {add = true, strides = array<i32>} : memref<64x768xf32, #tpu.memory_space<vmem>>, vector<1x16xf32>,
        %get3A_452 = arith.index_cast %scan3A_39 : i32 to index
        %get3A_453 = arith.constant 736 : index
        %get3A_454 = tpu.vector_load %arg8[%get3A_452, %get3A_453] {strides = array<i32>} : memref<64x768xf32, #tpu.memory_space<vmem>>, vector<1x16xf32>,
        %get3A_455 = vector.shape_cast %get3A_454 : vector<1x16xf32> to vector<16xf32>
        %swap3A_456 = arith.index_cast %scan3A_39 : i32 to index
        %swap3A_457 = arith.constant 736 : index
        %swap3A_458 = tpu.vector_load %arg7[%swap3A_456, %swap3A_457] {strides = array<i32>} : memref<64x768xf32, #tpu.memory_space<vmem>>, vector<1x16xf32>,
        %swap3A_459 = vector.shape_cast %swap3A_458 : vector<1x16xf32> to vector<16xf32>
        %swap3A_460 = vector.shape_cast %get3A_455 : vector<16xf32> to vector<1x16xf32>
        tpu.vector_store %arg7[%swap3A_456, %swap3A_457], %swap3A_460 {add = true, strides = array<i32>} : memref<64x768xf32, #tpu.memory_space<vmem>>, vector<1x16xf32>,
        %get3A_461 = arith.index_cast %scan3A_39 : i32 to index
        %get3A_462 = arith.constant 752 : index
        %get3A_463 = tpu.vector_load %arg8[%get3A_461, %get3A_462] {strides = array<i32>} : memref<64x768xf32, #tpu.memory_space<vmem>>, vector<1x16xf32>,
        %get3A_464 = vector.shape_cast %get3A_463 : vector<1x16xf32> to vector<16xf32>
        %swap3A_465 = arith.index_cast %scan3A_39 : i32 to index
        %swap3A_466 = arith.constant 752 : index
        %swap3A_467 = tpu.vector_load %arg7[%swap3A_465, %swap3A_466] {strides = array<i32>} : memref<64x768xf32, #tpu.memory_space<vmem>>, vector<1x16xf32>,
        %swap3A_468 = vector.shape_cast %swap3A_467 : vector<1x16xf32> to vector<16xf32>
        %swap3A_469 = vector.shape_cast %get3A_464 : vector<16xf32> to vector<1x16xf32>
        tpu.vector_store %arg7[%swap3A_465, %swap3A_466], %swap3A_469 {add = true, strides = array<i32>} : memref<64x768xf32, #tpu.memory_space<vmem>>, vector<1x16xf32>,
      }
      %scan3A_38 = arith.constant 64 : i32
      "tpu.region"() ({
        %run_scoped3A = tpu.sem_alloc : memref<!tpu.dma_semaphore, #tpu.memory_space<semaphore_mem>>
        %dma_start3A_39 = arith.constant 0 : i32
        %dma_start3A_40 = tpu.memref_slice %arg5[%add3A_26, %dma_start3A_39] : memref<65536x768xf32, #tpu.memory_space<hbm>> -> memref<64x768xf32, #tpu.memory_space<hbm>>
        %dma_start3A_41 = arith.constant 0 : i32
        %dma_start3A_42 = tpu.memref_slice %arg5[%add3A_26, %dma_start3A_41] : memref<65536x768xf32, #tpu.memory_space<hbm>> -> memref<64x768xf32, #tpu.memory_space<hbm>>
        tpu.enqueue_dma source(%arg7 : memref<64x768xf32, #tpu.memory_space<vmem>>) target(%dma_start3A_42 : memref<64x768xf32, #tpu.memory_space<hbm>>) target_semaphore(%run_scoped3A : memref<!tpu.dma_semaphore, #tpu.memory_space<semaphore_mem>>)
        %dma_wait3A_43 = arith.constant 0 : i32
        %dma_wait3A_44 = tpu.memref_slice %arg5[%add3A_26, %dma_wait3A_43] : memref<65536x768xf32, #tpu.memory_space<hbm>> -> memref<64x768xf32, #tpu.memory_space<hbm>>
        %dma_wait3A_45 = arith.constant 0 : i32
        %dma_wait3A_46 = tpu.memref_slice %arg5[%add3A_26, %dma_wait3A_45] : memref<65536x768xf32, #tpu.memory_space<hbm>> -> memref<64x768xf32, #tpu.memory_space<hbm>>
        tpu.wait_dma2 semaphore(%run_scoped3A : memref<!tpu.dma_semaphore, #tpu.memory_space<semaphore_mem>>) src(%arg7 : memref<64x768xf32, #tpu.memory_space<vmem>>) dst(%dma_wait3A_46 : memref<64x768xf32, #tpu.memory_space<hbm>>)
        tpu.yield
      }) : () -> ()
    }
    %scan3A_7 = arith.constant 16 : i32
    return
  }
}

</mosaic_0001>

<sc_bundles>
// kernel: _emb.3.cloned.1.call-start
scs
__scs_entry_jumppad:
0x0: {  	(pc) =	sbr.rel $0x88, $3  }
0x1: {  	(tag) =	ssettag $0x0;
	lr =	simm.s32 $0x1  }
0x2: {  	[smem:$0x3F9E] =	sst lr;
	_ =	strace $0xD0000000  }
0x3: {  	_ = 	snop  }
0x4: {  	_ = 	snop  }
0x5: {  	_ = 	snop  }
0x6: {  	_ = 	snop  }
0x7: {  	_ = 	snop  }
__scs_overlays_trampoline_lowered:
0x8: {  	[smem:$0x3FAD] =	sst s0  }
0x9: {  	[smem:$0x3FAE] =	sst s1  }
0xa: {  	[smem:$0x3FAF] =	sst s2  }
0xb: {  	[smem:$0x3FB0] =	sst s3  }
0xc: {  	[smem:$0x3FB1] =	sst s4  }
0xd: {  	[smem:$0x3FB2] =	sst s5  }
0xe: {  	[smem:$0x3FB3] =	sst s6  }
0xf: {  	[smem:$0x3FB4] =	sst s7  }
0x10: {  	[smem:$0x3FB5] =	sst s8  }
0x11: {  	[smem:$0x3FB6] =	sst s9;
	s0 =	simm.s32 @!p0 $0x0  }
0x12: {  	s1 =	sld [smem:$0x3F9C];
	s0 =	simm.s32 @p0 $0x1  }
0x13: {  	[smem:$0x3FB7] =	sst s0;
	s0 =	simm.s32 @!p1 $0x0  }
0x14: {  	s2 =	sld [smem:$0x3F9B];
	s0 =	simm.s32 @p1 $0x1  }
0x15: {  	[smem:$0x3FB8] =	sst s0;
	s0 =	simm.s32 @!p2 $0x0  }
0x16: {  	s3 =	sld [smem:$0x3FDB];
	s0 =	simm.s32 @p2 $0x1  }
0x17: {  	s4 =	simm.s32 $0x1BF5;
	[smem:$0x3FBA] =	sst s0  }
0x18: {  	s0 =	sld [smem:$0x3F9D];
	_ =	swait.ge [sflag:s4], $0x0  }
0x19: {  	s7 =	sld [smem:$0x3F9E]  }
0x1a: {  	s8 =	sadd.s32 $0xFFFFE003, lr  }
0x1b: {  	s9 =	sadd.s32 $0xFFFFFEF7, lr;
	s5 =	simm.s32 $0xFFFFFFFF;
	p2 =	slt.u32 s8, $0xFFFFF086  }
0x1c: {  	p1 =	slt.u32 s9, $0xF7A;
	s5 =	simm.s32 @!p2 $0x0  }
0x1d: {  	s5 =	simm.s32 @p1 $0x1;
	p0 =	seq.s32 s7, s2  }
0x1e: {  	s7 =	smul.u32 @!p0 $0xF7A, s2;
	p2 =	seq.s32 @!p0 s5, $0x0  }
0x1f: {  	s9 =	smul.u32 $0xF7A, s1;
	s8 =	simm.s32 @!p0 $0x1BF5;
	p2 =	por !p2, p0  }
0x20: {  	[sflag:s8] =	ssyncset.s32 @!p0 $0xFFFFF086;
	s6 =	sadd.s32 @!p0 s3, s7;
	s7 =	simm.s32 @!p0 $0x108  }
0x21: {  	s3 =	sadd.s32 s3, s9;
	s6 =	sadd.s32 @!p0 $0x88, s6;
	s7 =	simm.s32 @p2 $0x1082  }
0x22: {  	[simem:s7], [sflag:s8] =	dma.local @!p0 [hbm:s6], $0xF7A  }
0x23: {  	s9 =	sor.u32 $0xD0000000, s2;
	s6 =	simm.s32 $0x108;
	_ =	swait.ge @!p0 [sflag:s8], $0x0  }
0x24: {  	s3 =	sadd.s32 $0x88, s3;
	s6 =	simm.s32 @!p1 $0x1082;
	[sflag:s4] =	ssyncset.s32 $0xFFFFF086  }
0x25: {  	[simem:s6], [sflag:s4] =	dma.local [hbm:s3], $0xF7A  }
0x26: {  	[smem:$0x3F9E] =	sst s1;
	(tag) =	ssettag s2;
	_ =	strace s9  }
0x27: {  	s1 =	sld [smem:$0x3FAE]  }
0x28: {  	s2 =	sld [smem:$0x3FAF]  }
0x29: {  	s4 =	sld [smem:$0x3FB1]  }
0x2a: {  	p0 =	seq.s32 s5, $0x0;
	s5 =	sld [smem:$0x3FB2]  }
0x2b: {  	s6 =	sld [smem:$0x3FB3]  }
0x2c: {  	s7 =	sld [smem:$0x3FB4]  }
0x2d: {  	s3 =	simm.s32 $0x108;
	s8 =	sld [smem:$0x3FB5]  }
0x2e: {  	s3 =	simm.s32 @!p0 $0x1082;
	s9 =	sld [smem:$0x3FB6]  }
0x2f: {  	lr =	sadd.s32 s0, s3;
	s0 =	sld [smem:$0x3FAD]  }
0x30: {  	s3 =	sld [smem:$0x3FB0]  }
0x31: {  	[smem:$0x3FB9] =	sst s10  }
0x32: {  	s10 =	sld [smem:$0x3FB7];
	_ =	sdelay $0x3  }
0x33: {  	p0 =	seq.s32 s10, $0x1;
	s10 =	sld [smem:$0x3FB9];
	_ =	sdelay $0x3  }
0x34: {  	[smem:$0x3FB9] =	sst s10  }
0x35: {  	s10 =	sld [smem:$0x3FB8];
	_ =	sdelay $0x3  }
0x36: {  	p1 =	seq.s32 s10, $0x1;
	s10 =	sld [smem:$0x3FB9];
	_ =	sdelay $0x3  }
0x37: {  	[smem:$0x3FB9] =	sst s10  }
0x38: {  	s10 =	sld [smem:$0x3FBA]  }
0x39: {  	_ = 	snop;
	(pc) =	sbr.ind lr, $3  }
0x3a: {  	_ = 	snop  }
0x3b: {  	_ = 	snop  }
0x3c: {  	p2 =	seq.s32 s10, $0x1;
	s10 =	sld [smem:$0x3FB9]  }
0x3d: {  	_ =	shalt  }
0x3e: {  	_ =	shalt  }
0x3f: {  	_ =	shalt  }
0x40: {  	_ =	shalt  }
0x41: {  	_ =	shalt  }
0x42: {  	_ =	shalt  }
0x43: {  	_ =	shalt  }
0x44: {  	_ =	shalt  }
0x45: {  	_ =	shalt  }
0x46: {  	_ =	shalt  }
0x47: {  	_ =	shalt  }
0x48: {  	_ =	shalt  }
0x49: {  	_ =	shalt  }
0x4a: {  	_ =	shalt  }
0x4b: {  	_ =	shalt  }
0x4c: {  	_ =	shalt  }
0x4d: {  	_ =	shalt  }
0x4e: {  	_ =	shalt  }
0x4f: {  	_ =	shalt  }
0x50: {  	_ =	shalt  }
0x51: {  	_ =	shalt  }
0x52: {  	_ =	shalt  }
0x53: {  	_ =	shalt  }
0x54: {  	_ =	shalt  }
0x55: {  	_ =	shalt  }
0x56: {  	_ =	shalt  }
0x57: {  	_ =	shalt  }
0x58: {  	_ =	shalt  }
0x59: {  	_ =	shalt  }
0x5a: {  	_ =	shalt  }
0x5b: {  	_ =	shalt  }
0x5c: {  	_ =	shalt  }
0x5d: {  	_ =	shalt  }
0x5e: {  	_ =	shalt  }
0x5f: {  	_ =	shalt  }
0x60: {  	_ =	shalt  }
0x61: {  	_ =	shalt  }
0x62: {  	_ =	shalt  }
0x63: {  	_ =	shalt  }
0x64: {  	_ =	shalt  }
0x65: {  	_ =	shalt  }
0x66: {  	_ =	shalt  }
0x67: {  	_ =	shalt  }
0x68: {  	_ =	shalt  }
0x69: {  	_ =	shalt  }
0x6a: {  	_ =	shalt  }
0x6b: {  	_ =	shalt  }
0x6c: {  	_ =	shalt  }
0x6d: {  	_ =	shalt  }
0x6e: {  	_ =	shalt  }
0x6f: {  	_ =	shalt  }
0x70: {  	_ =	shalt  }
0x71: {  	_ =	shalt  }
0x72: {  	_ =	shalt  }
0x73: {  	_ =	shalt  }
0x74: {  	_ =	shalt  }
0x75: {  	_ =	shalt  }
0x76: {  	_ =	shalt  }
0x77: {  	_ =	shalt  }
0x78: {  	_ =	shalt  }
0x79: {  	_ =	shalt  }
0x7a: {  	_ =	shalt  }
0x7b: {  	_ =	shalt  }
0x7c: {  	_ =	shalt  }
0x7d: {  	_ =	shalt  }
0x7e: {  	_ =	shalt  }
0x7f: {  	_ =	shalt  }
0x80: {  	_ =	shalt  }
0x81: {  	_ =	shalt  }
0x82: {  	_ =	shalt  }
0x83: {  	_ =	shalt  }
0x84: {  	_ =	shalt  }
0x85: {  	_ =	shalt  }
0x86: {  	_ =	shalt  }
0x87: {  	_ =	shalt  }
.Lfunc_end0:
.L_simem_size_0:
called_computation_lowered:
.L_overlay_start_0:
0x88: {  	s2 =	sld [smem:$0x3FD9]  }
0x89: {  	s3 =	sld [smem:$0x3FFE];
	_ =	sdelay $0x1  }
0x8a: {  	s1 =	srdreg.scid  }
0x8b: {  	s0 =	sand.u32 $0x1, s1  }
0x8c: {  	s18 =	sshll.u32 s0, $0xA;
	s2 =	sadd.s32 s3, s2  }
0x8d: {  	s2 =	sadd.s32 s2, s18  }
0x8e: {  	[smem:$0x3FC5] =	sst s2  }
0x8f: {  	_ = 	snop  }
0x90: {  	s2 =	sld [smem:$0x3FC9]  }
0x91: {  	s19 =	sld [smem:$0x3FC8]  }
0x92: {  	s4 =	sld [smem:$0x3FC7]  }
0x93: {  	s5 =	sld [smem:$0x3FD0];
	(tm) =	ssettm $0x1  }
0x94: {  	s6 =	sld [smem:$0x3FFB];
	_ =	sdelay $0x3  }
0x95: {  	_ =	strace s6  }
0x96: {  	s6 =	sld [smem:$0x3FFC];
	_ =	sdelay $0x3  }
0x97: {  	_ =	strace s6  }
0x98: {  	s6 =	sld [smem:$0x3FFD];
	_ =	sdelay $0x3  }
0x99: {  	_ =	strace s6  }
0x9a: {  	_ =	strace $0x8FFFFFFF  }
0x9b: {  	s20 =	sld [smem:$0x3FDB];
	_ =	sdelay $0x1  }
0x9c: {  	s7 =	simm.s32 $_scs_section_size  }
0x9d: {  	s8 =	simm.s32 $_size__tile_overlayer_lowered;
	s9 =	simm.s32 $_tile_overlayer_lowered  }
0x9e: {  	s23 =	simm.s32 $0x1BFF;
	s22 =	sshll.u32 s9, $0x1;
	s6 =	sadd.s32 s7, s20  }
0x9f: {  	s10 =	simm.s32 $0x0;
	s21 =	sshll.u32 s8, $0x1;
	s8 =	sadd.s32 s22, s6  }
0xa0: {  	[timem:s10], [sflag:s23] =	dma.local [hbm:s8], s21  }
0xa1: {  	_ =	swait.ge [sflag:s23], s21  }
0xa2: {  	s7 =	ssub.s32 $0x0, s21;
	[sflag:s23] =	ssyncset.done $0x0  }
0xa3: {  	[sflag:s23] =	ssyncadd.s32 s7;
	_ =	sdelay $0x1  }
0xa4: {  	s24 =	simm.s32 $0x1B8B  }
0xa5: {  	_ =	swait.ge [sflag:s24], $0x1  }
0xa6: {  	[sflag:s24] =	ssyncset.done $0x0  }
0xa7: {  	s25 =	simm.s32 $0x1B8E;
	[sflag:s24] =	ssyncadd.s32 $0xFFFFFFFF  }
0xa8: {  	s26 =	simm.s32 $execute0_lowered;
	[smem:$0x3FD2] =	sst s25  }
0xa9: {  	s7 =	sshll.u32 s26, $0x1;
	_ =	strace $0x80000046;
	[dreg:$0x1] =	wrdreg $0xFFFFFFFF  }
0xaa: {  	s28 =	simm.s32 $_size_execute0_lowered;
	s6 =	sadd.s32 s6, s7;
	[dreg:$0x0] =	wrdreg $0x0  }
0xab: {  	s7 =	sshll.u32 s28, $0x1;
	[dreg:$0x2] =	wrdreg s6  }
0xac: {  	[dreg:$0x3] =	wrdreg s7  }
0xad: {  	[dreg:$0x4] =	wrdreg $0xC0  }
0xae: {  	_ =	task [dreg:s10], $0x5FFFF  }
0xaf: {  	[dreg:$0x1] =	wrdreg $0xFFFFFFFF  }
0xb0: {  	[dreg:$0x0] =	wrdreg $0x60  }
0xb1: {  	[dreg:$0x2] =	wrdreg s2  }
0xb2: {  	[dreg:$0x3] =	wrdreg s19  }
0xb3: {  	[dreg:$0x4] =	wrdreg s4  }
0xb4: {  	[dreg:$0x5] =	wrdreg s5  }
0xb5: {  	[dreg:$0x6] =	wrdreg $0x9  }
0xb6: {  	_ =	task.clear_ibuf [dreg:s10], $0x7FFFF;
	_ =	strace $0x90000046  }
0xb7: {  	s29 =	simm.s32 $0x9;
	_ =	strace $0x80000048  }
0xb8: {  	_ =	swait.ge [sflag:s29], $0x1  }
0xb9: {  	[sflag:s29] =	ssyncadd.s32 $0xFFFFFFFF  }
0xba: {  	_ =	strace $0x90000048  }
0xbb: {  	_ =	sfence  }
0xbc: {  	s30 =	sld [smem:$0x0];
	_ =	sdelay $0x2  }
0xbd: {  	s31 =	sshll.u32 s1, $0xD;
	s1 =	sshrl.u32 s1, $0x2  }
0xbe: {  	s3 =	sand.u32 $0x4000, s31;
	s1 =	sadd.s32 s1, s30  }
0xbf: {  	s0 =	sor.u32 s3, s0;
	s1 =	sshll.u32 s1, $0x11  }
0xc0: {  	s0 =	sor.u32 s1, s0  }
0xc1: {  	s0 =	sadd.s32 $0x8F2B, s0  }
0xc2: {  	[sflag:s0] =	ssyncadd.remote.s32 $0x1  }
0xc3: {  	_ =	sfence.sel $0xFFFF  }
0xc4: {  	[dreg:$0x0] =	wrdreg $0xFFFFFFFF;
	(pc) =	sbr.abs _section_cstart, $3  }
0xc5: {  	[dreg:$0x1] =	wrdreg $0xFFFFFFFF  }
0xc6: {  	_ =	task.clear_ibuf [dreg:s10], $0x2FFFF;
	_ =	strace $0x9FFFFFFF  }
0xc7: {  	(tm) =	ssettm $0x7FFFFFFF  }
tec
execute0_lowered:
.L_overlay_start_1:
0x0: {  	(tag) =	ssettag $0x1  }
0x1: {  	s2 =	rddreg [dreg:$0x1]  }
0x2: {  	s1 =	simm.s32 $0x0;
	s0 =	srdreg.scid;
	s4 =	stileid.u32  }
0x3: {  	s12 =	simm.s32 $0x2;
	s13 =	simm.s32 $0x80;
	s19 =	simm.s32 $0x3080  }
0x4: {  	s20 =	simm.s32 $0x3880;
	s21 =	simm.s32 $0x4080;
	s22 =	simm.s32 $0x4880  }
0x5: {  	s23 =	simm.s32 $0x5080;
	s24 =	simm.s32 $0x5880;
	s28 =	simm.s32 $0x7080  }
0x6: {  	s29 =	simm.s32 $0x7880;
	s30 =	simm.s32 $0x8080;
	s31 =	simm.s32 $0x8880  }
0x7: {  	s6 =	simm.s32 $0x9880;
	s10 =	simm.s32 $0xA080;
	s5 =	simm.s32 $0xB080  }
0x8: {  	s11 =	simm.s32 $0xB880;
	s7 =	simm.s32 $0x0;
	[smem:$0x7FF] =	sst s1  }
0x9: {  	s0 =	sand.u32 $0x1, s0;
	s4 =	sshll.u32 s4, $0xC;
	s8 =	sadd.s32 $0x100, s2  }
0xa: {  	s9 =	sadd.s32 $0x200, s2;
	s25 =	ssub.s32 $0x2, s0;
	s0 =	sshll.u32 s0, $0xB  }
0xb: {  	_ =	strace $0x80000047;
	s3 =	sshrl.u32 s25, $0x1;
	s0 =	sor.u32 s0, s4  }
0xc: {  	v2 =	vlaneseq.u32;
	s1 =	ssub.s32 s25, s3;
	[dreg:$0x5] =	wrdreg s0;
	s25 =	simm.s32 $0x6080  }
0xd: {  	vm0 =	vmmov $0xffff;
	v1 =	vshrl.u32 v2, $0x3;
	s0 =	simm.s32 $0x9080;
	s3 =	simm.s32 $0xA880;
	s26 =	smax.u32 s1, $0x1  }
0xe: {  	v0 =	vand.u32 $0x7, v2;
	v2 =	vor.u32 $0x8, v2;
	v1 =	vmul.u32 $0x8, v1;
	s1 =	simm.s32 $0x1;
	[dreg:$0x6] =	wrdreg s26;
	s26 =	simm.s32 $0x6880  }
.LBB2_1:
0xf: {  	[dreg:$0x7] =	wrdreg s7;
	s4 =	simm.s32 $0x0  }
.LBB2_2:
0x10: {  	s7 =	smul.u32 $0x1800, s4  }
0x11: {  	s14 =	rddreg [dreg:$0x2]  }
0x12: {  	s16 =	simm.s32 $0xC080;
	s7 =	sadd.s32 s14, s7;
	s14 =	simm.s32 $0x0  }
0x13: {  	[tilespmem:s16], [sflag:$0x2] =	stream.linear.gather [hbm4b:s7+s14], $0xC000, $0x38;
	[tilespmem:$0x18080] =	vst v63  }
0x14: {  	_ =	swait.ge [sflag:s12], $0xC000  }
0x15: {  	s15 =	sshll.u32 s4, $0x6;
	s16 =	rddreg [dreg:$0x5];
	[sflag:s12] =	ssyncset.done $0x0  }
0x16: {  	s7 =	sadd.s32 s16, s15;
	[sflag:s12] =	ssyncadd.s32 $0xFFFF4000  }
0x17: {  	s7 =	sshrl.u32 s7, $0x3;
	s17 =	rddreg [dreg:$0x0]  }
0x18: {  	s15 =	sadd.s32 s17, s7  }
0x19: {  	[tilespmem:s14], [sflag:$0x2] =	stream.linear.gather [hbm4b:s15+s14], $0x40, $0x38;
	[tilespmem:$0x18080] =	vst v63  }
0x1a: {  	_ =	swait.ge [sflag:s12], $0x40  }
0x1b: {  	[sflag:s12] =	ssyncset.done $0x0  }
0x1c: {  	[sflag:s12] =	ssyncadd.s32 $0xFFFFFFC0  }
0x1d: {  	v3 =	vld [tilespmem:$0x0];
	_ =	sdelay $0x4  }
0x1e: {  	v4 =	vshrl.u32 v3, $0x3  }
0x1f: {  	v4 =	vmul.u32 $0x30, v4  }
0x20: {  	v3 =	vand.u32 $0x7, v3  }
0x21: {  	v3 =	vor.u32 v3, v4  }
0x22: {  	v4 =	vperm.xlane v3, v0;
	_ =	sdelay $0x1  }
0x23: {  	v4 =	vadd.s32 v1, v4;
	_ =	sdelay $0x3  }
0x24: {  	v3 =	vperm.xlane v3, v2  }
0x25: {  	[tilespmem:s13], [sflag:$0x1] =	stream.indirect_vreg.gather [hbm4b:s2+s14], $0x80, v4, vm0, $0xb8;
	[tilespmem:$0x18080] =	vst v63  }
0x26: {  	s18 =	simm.s32 $0x880;
	v3 =	vadd.s32 v1, v3  }
0x27: {  	[tilespmem:s18], [sflag:$0x1] =	stream.indirect_vreg.gather [hbm4b:s8+s14], $0x80, v4, vm0, $0xb8;
	[tilespmem:$0x18080] =	vst v63  }
0x28: {  	s16 =	simm.s32 $0x1080  }
0x29: {  	[tilespmem:s16], [sflag:$0x1] =	stream.indirect_vreg.gather [hbm4b:s9+s14], $0x80, v4, vm0, $0xb8;
	[tilespmem:$0x18080] =	vst v63  }
0x2a: {  	s17 =	simm.s32 $0x1880  }
0x2b: {  	[tilespmem:s17], [sflag:$0x1] =	stream.indirect_vreg.gather [hbm4b:s2+s14], $0x80, v3, vm0, $0xb8;
	[tilespmem:$0x18080] =	vst v63  }
0x2c: {  	s18 =	simm.s32 $0x2080  }
0x2d: {  	[tilespmem:s18], [sflag:$0x1] =	stream.indirect_vreg.gather [hbm4b:s8+s14], $0x80, v3, vm0, $0xb8;
	[tilespmem:$0x18080] =	vst v63  }
0x2e: {  	s16 =	simm.s32 $0x2880  }
0x2f: {  	[tilespmem:s16], [sflag:$0x1] =	stream.indirect_vreg.gather [hbm4b:s9+s14], $0x80, v3, vm0, $0xb8;
	[tilespmem:$0x18080] =	vst v63  }
0x30: {  	v3 =	vld [tilespmem:$0x10];
	_ =	sdelay $0x4  }
0x31: {  	v4 =	vshrl.u32 v3, $0x3  }
0x32: {  	v4 =	vmul.u32 $0x30, v4  }
0x33: {  	v3 =	vand.u32 $0x7, v3  }
0x34: {  	v3 =	vor.u32 v3, v4  }
0x35: {  	v4 =	vperm.xlane v3, v0;
	_ =	sdelay $0x1  }
0x36: {  	v4 =	vadd.s32 v1, v4;
	_ =	sdelay $0x3  }
0x37: {  	v3 =	vperm.xlane v3, v2  }
0x38: {  	[tilespmem:s19], [sflag:$0x1] =	stream.indirect_vreg.gather [hbm4b:s2+s14], $0x80, v4, vm0, $0xb8;
	[tilespmem:$0x18080] =	vst v63  }
0x39: {  	v3 =	vadd.s32 v1, v3  }
0x3a: {  	[tilespmem:s20], [sflag:$0x1] =	stream.indirect_vreg.gather [hbm4b:s8+s14], $0x80, v4, vm0, $0xb8;
	[tilespmem:$0x18080] =	vst v63  }
0x3b: {  	_ = 	snop  }
0x3c: {  	[tilespmem:s21], [sflag:$0x1] =	stream.indirect_vreg.gather [hbm4b:s9+s14], $0x80, v4, vm0, $0xb8;
	[tilespmem:$0x18080] =	vst v63  }
0x3d: {  	_ = 	snop  }
0x3e: {  	[tilespmem:s22], [sflag:$0x1] =	stream.indirect_vreg.gather [hbm4b:s2+s14], $0x80, v3, vm0, $0xb8;
	[tilespmem:$0x18080] =	vst v63  }
0x3f: {  	_ = 	snop  }
0x40: {  	[tilespmem:s23], [sflag:$0x1] =	stream.indirect_vreg.gather [hbm4b:s8+s14], $0x80, v3, vm0, $0xb8;
	[tilespmem:$0x18080] =	vst v63  }
0x41: {  	_ = 	snop  }
0x42: {  	[tilespmem:s24], [sflag:$0x1] =	stream.indirect_vreg.gather [hbm4b:s9+s14], $0x80, v3, vm0, $0xb8;
	[tilespmem:$0x18080] =	vst v63  }
0x43: {  	v3 =	vld [tilespmem:$0x20];
	_ =	sdelay $0x4  }
0x44: {  	v4 =	vshrl.u32 v3, $0x3  }
0x45: {  	v4 =	vmul.u32 $0x30, v4  }
0x46: {  	v3 =	vand.u32 $0x7, v3  }
0x47: {  	v3 =	vor.u32 v3, v4  }
0x48: {  	v4 =	vperm.xlane v3, v0;
	_ =	sdelay $0x1  }
0x49: {  	v4 =	vadd.s32 v1, v4;
	_ =	sdelay $0x3  }
0x4a: {  	v3 =	vperm.xlane v3, v2  }
0x4b: {  	[tilespmem:s25], [sflag:$0x1] =	stream.indirect_vreg.gather [hbm4b:s2+s14], $0x80, v4, vm0, $0xb8;
	[tilespmem:$0x18080] =	vst v63  }
0x4c: {  	v3 =	vadd.s32 v1, v3  }
0x4d: {  	[tilespmem:s26], [sflag:$0x1] =	stream.indirect_vreg.gather [hbm4b:s8+s14], $0x80, v4, vm0, $0xb8;
	[tilespmem:$0x18080] =	vst v63  }
0x4e: {  	_ = 	snop  }
0x4f: {  	[tilespmem:s28], [sflag:$0x1] =	stream.indirect_vreg.gather [hbm4b:s9+s14], $0x80, v4, vm0, $0xb8;
	[tilespmem:$0x18080] =	vst v63  }
0x50: {  	_ = 	snop  }
0x51: {  	[tilespmem:s29], [sflag:$0x1] =	stream.indirect_vreg.gather [hbm4b:s2+s14], $0x80, v3, vm0, $0xb8;
	[tilespmem:$0x18080] =	vst v63  }
0x52: {  	_ = 	snop  }
0x53: {  	[tilespmem:s30], [sflag:$0x1] =	stream.indirect_vreg.gather [hbm4b:s8+s14], $0x80, v3, vm0, $0xb8;
	[tilespmem:$0x18080] =	vst v63  }
0x54: {  	_ = 	snop  }
0x55: {  	[tilespmem:s31], [sflag:$0x1] =	stream.indirect_vreg.gather [hbm4b:s9+s14], $0x80, v3, vm0, $0xb8;
	[tilespmem:$0x18080] =	vst v63  }
0x56: {  	v3 =	vld [tilespmem:$0x30];
	_ =	sdelay $0x4  }
0x57: {  	v4 =	vshrl.u32 v3, $0x3  }
0x58: {  	v4 =	vmul.u32 $0x30, v4  }
0x59: {  	v3 =	vand.u32 $0x7, v3  }
0x5a: {  	v3 =	vor.u32 v3, v4  }
0x5b: {  	v4 =	vperm.xlane v3, v0;
	_ =	sdelay $0x1  }
0x5c: {  	v4 =	vadd.s32 v1, v4;
	_ =	sdelay $0x3  }
0x5d: {  	v3 =	vperm.xlane v3, v2  }
0x5e: {  	[tilespmem:s0], [sflag:$0x1] =	stream.indirect_vreg.gather [hbm4b:s2+s14], $0x80, v4, vm0, $0xb8;
	[tilespmem:$0x18080] =	vst v63  }
0x5f: {  	v3 =	vadd.s32 v1, v3  }
0x60: {  	[tilespmem:s6], [sflag:$0x1] =	stream.indirect_vreg.gather [hbm4b:s8+s14], $0x80, v4, vm0, $0xb8;
	[tilespmem:$0x18080] =	vst v63  }
0x61: {  	_ = 	snop  }
0x62: {  	[tilespmem:s10], [sflag:$0x1] =	stream.indirect_vreg.gather [hbm4b:s9+s14], $0x80, v4, vm0, $0xb8;
	[tilespmem:$0x18080] =	vst v63  }
0x63: {  	_ = 	snop  }
0x64: {  	[tilespmem:s3], [sflag:$0x1] =	stream.indirect_vreg.gather [hbm4b:s2+s14], $0x80, v3, vm0, $0xb8;
	[tilespmem:$0x18080] =	vst v63  }
0x65: {  	_ = 	snop  }
0x66: {  	[tilespmem:s5], [sflag:$0x1] =	stream.indirect_vreg.gather [hbm4b:s8+s14], $0x80, v3, vm0, $0xb8;
	[tilespmem:$0x18080] =	vst v63  }
0x67: {  	s17 =	simm.s32 $0x0  }
0x68: {  	[tilespmem:s11], [sflag:$0x1] =	stream.indirect_vreg.gather [hbm4b:s9+s14], $0x80, v3, vm0, $0xb8;
	[tilespmem:$0x18080] =	vst v63  }
0x69: {  	s15 =	smul.u32 $0x1800, s17;
	_ =	swait.ge [sflag:s1], $0xC000  }
0x6a: {  	s18 =	sand.u32 $0x380, s14;
	[sflag:s1] =	ssyncset.done $0x0  }
0x6b: {  	s15 =	sor.u32 s18, s15;
	[sflag:s1] =	ssyncadd.s32 $0xFFFF4000  }
0x6c: {  	v3 =	vld [tilespmem:s15+$0xD4F0]  }
0x6d: {  	v6 =	vld [tilespmem:s15+$0xC080]  }
0x6e: {  	v7 =	vld [tilespmem:s15+$0xC090]  }
0x6f: {  	v8 =	vld [tilespmem:s15+$0xC0A0]  }
0x70: {  	v9 =	vld [tilespmem:s15+$0xC0B0]  }
0x71: {  	v10 =	vld [tilespmem:s15+$0xC0C0]  }
0x72: {  	v11 =	vld [tilespmem:s15+$0xC0D0]  }
0x73: {  	v12 =	vld [tilespmem:s15+$0xC0E0]  }
0x74: {  	v13 =	vld [tilespmem:s15+$0xC0F0]  }
0x75: {  	v14 =	vld [tilespmem:s15+$0xC480]  }
0x76: {  	v15 =	vld [tilespmem:s15+$0xC490]  }
0x77: {  	v16 =	vld [tilespmem:s15+$0xC4A0]  }
0x78: {  	v17 =	vld [tilespmem:s15+$0xC4B0]  }
0x79: {  	v18 =	vld [tilespmem:s15+$0xC4C0]  }
0x7a: {  	v19 =	vld [tilespmem:s15+$0xC4D0]  }
0x7b: {  	v20 =	vld [tilespmem:s15+$0xC4E0]  }
0x7c: {  	v21 =	vld [tilespmem:s15+$0xC4F0]  }
0x7d: {  	v22 =	vld [tilespmem:s15+$0xC880]  }
0x7e: {  	v23 =	vld [tilespmem:s15+$0xC890]  }
0x7f: {  	v24 =	vld [tilespmem:s15+$0xC8A0]  }
0x80: {  	v25 =	vld [tilespmem:s15+$0xC8B0]  }
0x81: {  	v26 =	vld [tilespmem:s15+$0xC8C0]  }
0x82: {  	v27 =	vld [tilespmem:s15+$0xC8D0]  }
0x83: {  	v28 =	vld [tilespmem:s15+$0xC8E0]  }
0x84: {  	v29 =	vld [tilespmem:s15+$0xC8F0]  }
0x85: {  	v30 =	vld [tilespmem:s15+$0xCC80]  }
0x86: {  	v31 =	vld [tilespmem:s15+$0xCC90]  }
0x87: {  	v32 =	vld [tilespmem:s15+$0xCCA0]  }
0x88: {  	v33 =	vld [tilespmem:s15+$0xCCB0]  }
0x89: {  	v34 =	vld [tilespmem:s15+$0xCCC0]  }
0x8a: {  	v35 =	vld [tilespmem:s15+$0xCCD0]  }
0x8b: {  	v36 =	vld [tilespmem:s15+$0xCCE0]  }
0x8c: {  	v37 =	vld [tilespmem:s15+$0xCCF0]  }
0x8d: {  	v38 =	vld [tilespmem:s15+$0xD080]  }
0x8e: {  	v39 =	vld [tilespmem:s15+$0xD090]  }
0x8f: {  	v40 =	vld [tilespmem:s15+$0xD0A0]  }
0x90: {  	v41 =	vld [tilespmem:s15+$0xD0B0]  }
0x91: {  	v42 =	vld [tilespmem:s15+$0xD0C0]  }
0x92: {  	v43 =	vld [tilespmem:s15+$0xD0D0]  }
0x93: {  	v44 =	vld [tilespmem:s15+$0xD0E0]  }
0x94: {  	v45 =	vld [tilespmem:s15+$0xD0F0]  }
0x95: {  	v46 =	vld [tilespmem:s15+$0xD480]  }
0x96: {  	v47 =	vld [tilespmem:s15+$0xD490]  }
0x97: {  	v48 =	vld [tilespmem:s15+$0xD4A0]  }
0x98: {  	v49 =	vld [tilespmem:s15+$0xD4B0]  }
0x99: {  	v5 =	vld [tilespmem:s15+$0xD4C0]  }
0x9a: {  	v4 =	vld [tilespmem:s15+$0xD4D0]  }
0x9b: {  	[tilespmem:s15+$0x14F0] =	vst.add.f32.msk $0xffff, v3  }
0x9c: {  	v3 =	vld [tilespmem:s15+$0xD4E0]  }
0x9d: {  	[tilespmem:s15+$0x80] =	vst.add.f32.msk $0xffff, v6  }
0x9e: {  	[tilespmem:s15+$0x90] =	vst.add.f32.msk $0xffff, v7  }
0x9f: {  	[tilespmem:s15+$0xA0] =	vst.add.f32.msk $0xffff, v8  }
0xa0: {  	[tilespmem:s15+$0xB0] =	vst.add.f32.msk $0xffff, v9  }
0xa1: {  	[tilespmem:s15+$0xC0] =	vst.add.f32.msk $0xffff, v10  }
0xa2: {  	[tilespmem:s15+$0xD0] =	vst.add.f32.msk $0xffff, v11  }
0xa3: {  	[tilespmem:s15+$0xE0] =	vst.add.f32.msk $0xffff, v12  }
0xa4: {  	[tilespmem:s15+$0xF0] =	vst.add.f32.msk $0xffff, v13  }
0xa5: {  	[tilespmem:s15+$0x480] =	vst.add.f32.msk $0xffff, v14  }
0xa6: {  	[tilespmem:s15+$0x490] =	vst.add.f32.msk $0xffff, v15  }
0xa7: {  	[tilespmem:s15+$0x4A0] =	vst.add.f32.msk $0xffff, v16  }
0xa8: {  	[tilespmem:s15+$0x4B0] =	vst.add.f32.msk $0xffff, v17  }
0xa9: {  	[tilespmem:s15+$0x4C0] =	vst.add.f32.msk $0xffff, v18  }
0xaa: {  	[tilespmem:s15+$0x4D0] =	vst.add.f32.msk $0xffff, v19  }
0xab: {  	[tilespmem:s15+$0x4E0] =	vst.add.f32.msk $0xffff, v20  }
0xac: {  	[tilespmem:s15+$0x4F0] =	vst.add.f32.msk $0xffff, v21  }
0xad: {  	[tilespmem:s15+$0x880] =	vst.add.f32.msk $0xffff, v22  }
0xae: {  	[tilespmem:s15+$0x890] =	vst.add.f32.msk $0xffff, v23  }
0xaf: {  	[tilespmem:s15+$0x8A0] =	vst.add.f32.msk $0xffff, v24  }
0xb0: {  	[tilespmem:s15+$0x8B0] =	vst.add.f32.msk $0xffff, v25  }
0xb1: {  	[tilespmem:s15+$0x8C0] =	vst.add.f32.msk $0xffff, v26  }
0xb2: {  	[tilespmem:s15+$0x8D0] =	vst.add.f32.msk $0xffff, v27  }
0xb3: {  	[tilespmem:s15+$0x8E0] =	vst.add.f32.msk $0xffff, v28  }
0xb4: {  	[tilespmem:s15+$0x8F0] =	vst.add.f32.msk $0xffff, v29  }
0xb5: {  	[tilespmem:s15+$0xC80] =	vst.add.f32.msk $0xffff, v30  }
0xb6: {  	[tilespmem:s15+$0xC90] =	vst.add.f32.msk $0xffff, v31  }
0xb7: {  	[tilespmem:s15+$0xCA0] =	vst.add.f32.msk $0xffff, v32  }
0xb8: {  	[tilespmem:s15+$0xCB0] =	vst.add.f32.msk $0xffff, v33  }
0xb9: {  	[tilespmem:s15+$0xCC0] =	vst.add.f32.msk $0xffff, v34  }
0xba: {  	[tilespmem:s15+$0xCD0] =	vst.add.f32.msk $0xffff, v35  }
0xbb: {  	[tilespmem:s15+$0xCE0] =	vst.add.f32.msk $0xffff, v36  }
0xbc: {  	[tilespmem:s15+$0xCF0] =	vst.add.f32.msk $0xffff, v37  }
0xbd: {  	[tilespmem:s15+$0x1080] =	vst.add.f32.msk $0xffff, v38  }
0xbe: {  	[tilespmem:s15+$0x1090] =	vst.add.f32.msk $0xffff, v39  }
0xbf: {  	[tilespmem:s15+$0x10A0] =	vst.add.f32.msk $0xffff, v40  }
0xc0: {  	[tilespmem:s15+$0x10B0] =	vst.add.f32.msk $0xffff, v41  }
0xc1: {  	[tilespmem:s15+$0x10C0] =	vst.add.f32.msk $0xffff, v42  }
0xc2: {  	[tilespmem:s15+$0x10D0] =	vst.add.f32.msk $0xffff, v43  }
0xc3: {  	[tilespmem:s15+$0x10E0] =	vst.add.f32.msk $0xffff, v44  }
0xc4: {  	[tilespmem:s15+$0x10F0] =	vst.add.f32.msk $0xffff, v45  }
0xc5: {  	[tilespmem:s15+$0x1480] =	vst.add.f32.msk $0xffff, v46  }
0xc6: {  	[tilespmem:s15+$0x1490] =	vst.add.f32.msk $0xffff, v47  }
0xc7: {  	[tilespmem:s15+$0x14A0] =	vst.add.f32.msk $0xffff, v48  }
0xc8: {  	s17 =	simm.s32 $0x0;
	s16 =	simm.s32 $0x2;
	[tilespmem:s15+$0x14B0] =	vst.add.f32.msk $0xffff, v49  }
.LBB2_3:
0xc9: {  	p0 =	sne.s32 s16, $0x3F;
	s17 =	smul.u32 $0x1800, s17;
	[tilespmem:s15+$0x14C0] =	vst.add.f32.msk $0xffff, v5;
	s14 =	sadd.s32 $0x80, s14  }
0xca: {  	s18 =	sand.u32 $0x380, s14;
	[tilespmem:s15+$0x14D0] =	vst.add.f32.msk $0xffff, v4  }
0xcb: {  	[tilespmem:s15+$0x14E0] =	vst.add.f32.msk $0xffff, v3;
	s15 =	sor.u32 s18, s17  }
0xcc: {  	v3 =	vld [tilespmem:s15+$0xD4F0]  }
0xcd: {  	v6 =	vld [tilespmem:s15+$0xC080]  }
0xce: {  	v7 =	vld [tilespmem:s15+$0xC090]  }
0xcf: {  	v8 =	vld [tilespmem:s15+$0xC0A0]  }
0xd0: {  	v9 =	vld [tilespmem:s15+$0xC0B0]  }
0xd1: {  	[tilespmem:s15+$0x14F0] =	vst.add.f32.msk $0xffff, v3  }
0xd2: {  	v10 =	vld [tilespmem:s15+$0xC0C0]  }
0xd3: {  	v11 =	vld [tilespmem:s15+$0xC0D0]  }
0xd4: {  	v12 =	vld [tilespmem:s15+$0xC0E0]  }
0xd5: {  	v13 =	vld [tilespmem:s15+$0xC0F0]  }
0xd6: {  	v14 =	vld [tilespmem:s15+$0xC480]  }
0xd7: {  	v15 =	vld [tilespmem:s15+$0xC490]  }
0xd8: {  	v16 =	vld [tilespmem:s15+$0xC4A0]  }
0xd9: {  	v17 =	vld [tilespmem:s15+$0xC4B0]  }
0xda: {  	v18 =	vld [tilespmem:s15+$0xC4C0]  }
0xdb: {  	v19 =	vld [tilespmem:s15+$0xC4D0]  }
0xdc: {  	v20 =	vld [tilespmem:s15+$0xC4E0]  }
0xdd: {  	v21 =	vld [tilespmem:s15+$0xC4F0]  }
0xde: {  	v22 =	vld [tilespmem:s15+$0xC880]  }
0xdf: {  	v23 =	vld [tilespmem:s15+$0xC890]  }
0xe0: {  	v24 =	vld [tilespmem:s15+$0xC8A0]  }
0xe1: {  	v25 =	vld [tilespmem:s15+$0xC8B0]  }
0xe2: {  	v26 =	vld [tilespmem:s15+$0xC8C0]  }
0xe3: {  	v27 =	vld [tilespmem:s15+$0xC8D0]  }
0xe4: {  	v28 =	vld [tilespmem:s15+$0xC8E0]  }
0xe5: {  	v29 =	vld [tilespmem:s15+$0xC8F0]  }
0xe6: {  	v30 =	vld [tilespmem:s15+$0xCC80]  }
0xe7: {  	v31 =	vld [tilespmem:s15+$0xCC90]  }
0xe8: {  	v32 =	vld [tilespmem:s15+$0xCCA0]  }
0xe9: {  	v33 =	vld [tilespmem:s15+$0xCCB0]  }
0xea: {  	v34 =	vld [tilespmem:s15+$0xCCC0]  }
0xeb: {  	v35 =	vld [tilespmem:s15+$0xCCD0]  }
0xec: {  	v36 =	vld [tilespmem:s15+$0xCCE0]  }
0xed: {  	v37 =	vld [tilespmem:s15+$0xCCF0]  }
0xee: {  	v38 =	vld [tilespmem:s15+$0xD080]  }
0xef: {  	v39 =	vld [tilespmem:s15+$0xD090]  }
0xf0: {  	v40 =	vld [tilespmem:s15+$0xD0A0]  }
0xf1: {  	v41 =	vld [tilespmem:s15+$0xD0B0]  }
0xf2: {  	v42 =	vld [tilespmem:s15+$0xD0C0]  }
0xf3: {  	v43 =	vld [tilespmem:s15+$0xD0D0]  }
0xf4: {  	v44 =	vld [tilespmem:s15+$0xD0E0]  }
0xf5: {  	v45 =	vld [tilespmem:s15+$0xD0F0]  }
0xf6: {  	v46 =	vld [tilespmem:s15+$0xD480]  }
0xf7: {  	v47 =	vld [tilespmem:s15+$0xD490]  }
0xf8: {  	v48 =	vld [tilespmem:s15+$0xD4A0]  }
0xf9: {  	v49 =	vld [tilespmem:s15+$0xD4B0]  }
0xfa: {  	v5 =	vld [tilespmem:s15+$0xD4C0]  }
0xfb: {  	v4 =	vld [tilespmem:s15+$0xD4D0]  }
0xfc: {  	v3 =	vld [tilespmem:s15+$0xD4E0]  }
0xfd: {  	[tilespmem:s15+$0x80] =	vst.add.f32.msk $0xffff, v6  }
0xfe: {  	[tilespmem:s15+$0x90] =	vst.add.f32.msk $0xffff, v7  }
0xff: {  	[tilespmem:s15+$0xA0] =	vst.add.f32.msk $0xffff, v8  }
0x100: {  	[tilespmem:s15+$0xB0] =	vst.add.f32.msk $0xffff, v9  }
0x101: {  	[tilespmem:s15+$0xC0] =	vst.add.f32.msk $0xffff, v10  }
0x102: {  	[tilespmem:s15+$0xD0] =	vst.add.f32.msk $0xffff, v11  }
0x103: {  	[tilespmem:s15+$0xE0] =	vst.add.f32.msk $0xffff, v12  }
0x104: {  	[tilespmem:s15+$0xF0] =	vst.add.f32.msk $0xffff, v13  }
0x105: {  	[tilespmem:s15+$0x480] =	vst.add.f32.msk $0xffff, v14  }
0x106: {  	[tilespmem:s15+$0x490] =	vst.add.f32.msk $0xffff, v15  }
0x107: {  	[tilespmem:s15+$0x4A0] =	vst.add.f32.msk $0xffff, v16  }
0x108: {  	[tilespmem:s15+$0x4B0] =	vst.add.f32.msk $0xffff, v17  }
0x109: {  	[tilespmem:s15+$0x4C0] =	vst.add.f32.msk $0xffff, v18  }
0x10a: {  	[tilespmem:s15+$0x4D0] =	vst.add.f32.msk $0xffff, v19  }
0x10b: {  	[tilespmem:s15+$0x4E0] =	vst.add.f32.msk $0xffff, v20  }
0x10c: {  	[tilespmem:s15+$0x4F0] =	vst.add.f32.msk $0xffff, v21  }
0x10d: {  	[tilespmem:s15+$0x880] =	vst.add.f32.msk $0xffff, v22  }
0x10e: {  	[tilespmem:s15+$0x890] =	vst.add.f32.msk $0xffff, v23  }
0x10f: {  	[tilespmem:s15+$0x8A0] =	vst.add.f32.msk $0xffff, v24  }
0x110: {  	[tilespmem:s15+$0x8B0] =	vst.add.f32.msk $0xffff, v25  }
0x111: {  	[tilespmem:s15+$0x8C0] =	vst.add.f32.msk $0xffff, v26  }
0x112: {  	[tilespmem:s15+$0x8D0] =	vst.add.f32.msk $0xffff, v27  }
0x113: {  	[tilespmem:s15+$0x8E0] =	vst.add.f32.msk $0xffff, v28  }
0x114: {  	[tilespmem:s15+$0x8F0] =	vst.add.f32.msk $0xffff, v29  }
0x115: {  	[tilespmem:s15+$0xC80] =	vst.add.f32.msk $0xffff, v30  }
0x116: {  	[tilespmem:s15+$0xC90] =	vst.add.f32.msk $0xffff, v31  }
0x117: {  	[tilespmem:s15+$0xCA0] =	vst.add.f32.msk $0xffff, v32  }
0x118: {  	[tilespmem:s15+$0xCB0] =	vst.add.f32.msk $0xffff, v33  }
0x119: {  	[tilespmem:s15+$0xCC0] =	vst.add.f32.msk $0xffff, v34  }
0x11a: {  	[tilespmem:s15+$0xCD0] =	vst.add.f32.msk $0xffff, v35  }
0x11b: {  	[tilespmem:s15+$0xCE0] =	vst.add.f32.msk $0xffff, v36  }
0x11c: {  	[tilespmem:s15+$0xCF0] =	vst.add.f32.msk $0xffff, v37  }
0x11d: {  	[tilespmem:s15+$0x1080] =	vst.add.f32.msk $0xffff, v38  }
0x11e: {  	[tilespmem:s15+$0x1090] =	vst.add.f32.msk $0xffff, v39  }
0x11f: {  	[tilespmem:s15+$0x10A0] =	vst.add.f32.msk $0xffff, v40  }
0x120: {  	[tilespmem:s15+$0x10B0] =	vst.add.f32.msk $0xffff, v41  }
0x121: {  	[tilespmem:s15+$0x10C0] =	vst.add.f32.msk $0xffff, v42  }
0x122: {  	[tilespmem:s15+$0x10D0] =	vst.add.f32.msk $0xffff, v43  }
0x123: {  	[tilespmem:s15+$0x10E0] =	vst.add.f32.msk $0xffff, v44  }
.Ltmp0:
0x124: {  	[tilespmem:s15+$0x10F0] =	vst.add.f32.msk $0xffff, v45;
	(pc) =	sbr.rel @p0 .LBB2_3-.Ltmp0, $4  }
0x125: {  	[tilespmem:s15+$0x1480] =	vst.add.f32.msk $0xffff, v46  }
0x126: {  	[tilespmem:s15+$0x1490] =	vst.add.f32.msk $0xffff, v47  }
0x127: {  	[tilespmem:s15+$0x14A0] =	vst.add.f32.msk $0xffff, v48  }
0x128: {  	s17 =	sshrl.u32 s16, $0x3;
	s16 =	sadd.s32 $0x1, s16;
	[tilespmem:s15+$0x14B0] =	vst.add.f32.msk $0xffff, v49  }
0x129: {  	s16 =	smul.u32 $0x1800, s17;
	[tilespmem:s15+$0x14C0] =	vst.add.f32.msk $0xffff, v5;
	s14 =	sadd.s32 $0x80, s14  }
0x12a: {  	[tilespmem:s15+$0x14D0] =	vst.add.f32.msk $0xffff, v4;
	s14 =	sand.u32 $0x380, s14  }
0x12b: {  	[tilespmem:s15+$0x14E0] =	vst.add.f32.msk $0xffff, v3;
	s14 =	sor.u32 s14, s16  }
0x12c: {  	v3 =	vld [tilespmem:s14+$0xD4F0]  }
0x12d: {  	v4 =	vld [tilespmem:s14+$0xC080]  }
0x12e: {  	v5 =	vld [tilespmem:s14+$0xC090]  }
0x12f: {  	v6 =	vld [tilespmem:s14+$0xC0A0]  }
0x130: {  	v7 =	vld [tilespmem:s14+$0xC0B0]  }
0x131: {  	v8 =	vld [tilespmem:s14+$0xC0D0]  }
0x132: {  	v9 =	vld [tilespmem:s14+$0xC0E0]  }
0x133: {  	v10 =	vld [tilespmem:s14+$0xC0F0]  }
0x134: {  	v11 =	vld [tilespmem:s14+$0xC480]  }
0x135: {  	v12 =	vld [tilespmem:s14+$0xC490]  }
0x136: {  	v13 =	vld [tilespmem:s14+$0xC4A0]  }
0x137: {  	v14 =	vld [tilespmem:s14+$0xC4B0]  }
0x138: {  	v15 =	vld [tilespmem:s14+$0xC4C0]  }
0x139: {  	v16 =	vld [tilespmem:s14+$0xC4D0]  }
0x13a: {  	v17 =	vld [tilespmem:s14+$0xC4E0]  }
0x13b: {  	v18 =	vld [tilespmem:s14+$0xC4F0]  }
0x13c: {  	v19 =	vld [tilespmem:s14+$0xC880]  }
0x13d: {  	v20 =	vld [tilespmem:s14+$0xC890]  }
0x13e: {  	v21 =	vld [tilespmem:s14+$0xC8A0]  }
0x13f: {  	v22 =	vld [tilespmem:s14+$0xC8B0]  }
0x140: {  	v23 =	vld [tilespmem:s14+$0xC8C0]  }
0x141: {  	v24 =	vld [tilespmem:s14+$0xC8D0]  }
0x142: {  	v25 =	vld [tilespmem:s14+$0xC8E0]  }
0x143: {  	v26 =	vld [tilespmem:s14+$0xC8F0]  }
0x144: {  	v27 =	vld [tilespmem:s14+$0xCC80]  }
0x145: {  	v28 =	vld [tilespmem:s14+$0xCC90]  }
0x146: {  	v29 =	vld [tilespmem:s14+$0xCCA0]  }
0x147: {  	v30 =	vld [tilespmem:s14+$0xCCB0]  }
0x148: {  	v31 =	vld [tilespmem:s14+$0xCCC0]  }
0x149: {  	v32 =	vld [tilespmem:s14+$0xCCD0]  }
0x14a: {  	v33 =	vld [tilespmem:s14+$0xCCE0]  }
0x14b: {  	v34 =	vld [tilespmem:s14+$0xCCF0]  }
0x14c: {  	v35 =	vld [tilespmem:s14+$0xD080]  }
0x14d: {  	v36 =	vld [tilespmem:s14+$0xD090]  }
0x14e: {  	v37 =	vld [tilespmem:s14+$0xD0A0]  }
0x14f: {  	v38 =	vld [tilespmem:s14+$0xD0B0]  }
0x150: {  	v39 =	vld [tilespmem:s14+$0xD0C0]  }
0x151: {  	v40 =	vld [tilespmem:s14+$0xD0D0]  }
0x152: {  	v41 =	vld [tilespmem:s14+$0xD0E0]  }
0x153: {  	v42 =	vld [tilespmem:s14+$0xD0F0]  }
0x154: {  	v43 =	vld [tilespmem:s14+$0xD480]  }
0x155: {  	v44 =	vld [tilespmem:s14+$0xD490]  }
0x156: {  	v45 =	vld [tilespmem:s14+$0xD4A0]  }
0x157: {  	v46 =	vld [tilespmem:s14+$0xD4B0]  }
0x158: {  	v47 =	vld [tilespmem:s14+$0xD4C0]  }
0x159: {  	v48 =	vld [tilespmem:s14+$0xD4D0]  }
0x15a: {  	v49 =	vld [tilespmem:s14+$0xD4E0]  }
0x15b: {  	[tilespmem:s14+$0x14F0] =	vst.add.f32.msk $0xffff, v3  }
0x15c: {  	v3 =	vld [tilespmem:s14+$0xC0C0]  }
0x15d: {  	[tilespmem:s14+$0x80] =	vst.add.f32.msk $0xffff, v4  }
0x15e: {  	[tilespmem:s14+$0x90] =	vst.add.f32.msk $0xffff, v5  }
0x15f: {  	[tilespmem:s14+$0xA0] =	vst.add.f32.msk $0xffff, v6  }
0x160: {  	[tilespmem:s14+$0xB0] =	vst.add.f32.msk $0xffff, v7  }
0x161: {  	[tilespmem:s14+$0xD0] =	vst.add.f32.msk $0xffff, v8  }
0x162: {  	[tilespmem:s14+$0xE0] =	vst.add.f32.msk $0xffff, v9  }
0x163: {  	[tilespmem:s14+$0xF0] =	vst.add.f32.msk $0xffff, v10  }
0x164: {  	[tilespmem:s14+$0x480] =	vst.add.f32.msk $0xffff, v11  }
0x165: {  	[tilespmem:s14+$0x490] =	vst.add.f32.msk $0xffff, v12  }
0x166: {  	[tilespmem:s14+$0x4A0] =	vst.add.f32.msk $0xffff, v13  }
0x167: {  	[tilespmem:s14+$0x4B0] =	vst.add.f32.msk $0xffff, v14  }
0x168: {  	[tilespmem:s14+$0x4C0] =	vst.add.f32.msk $0xffff, v15  }
0x169: {  	[tilespmem:s14+$0x4D0] =	vst.add.f32.msk $0xffff, v16  }
0x16a: {  	[tilespmem:s14+$0x4E0] =	vst.add.f32.msk $0xffff, v17  }
0x16b: {  	[tilespmem:s14+$0x4F0] =	vst.add.f32.msk $0xffff, v18  }
0x16c: {  	[tilespmem:s14+$0x880] =	vst.add.f32.msk $0xffff, v19  }
0x16d: {  	[tilespmem:s14+$0x890] =	vst.add.f32.msk $0xffff, v20  }
0x16e: {  	[tilespmem:s14+$0x8A0] =	vst.add.f32.msk $0xffff, v21  }
0x16f: {  	[tilespmem:s14+$0x8B0] =	vst.add.f32.msk $0xffff, v22  }
0x170: {  	[tilespmem:s14+$0x8C0] =	vst.add.f32.msk $0xffff, v23  }
0x171: {  	[tilespmem:s14+$0x8D0] =	vst.add.f32.msk $0xffff, v24  }
0x172: {  	[tilespmem:s14+$0x8E0] =	vst.add.f32.msk $0xffff, v25  }
0x173: {  	[tilespmem:s14+$0x8F0] =	vst.add.f32.msk $0xffff, v26  }
0x174: {  	[tilespmem:s14+$0xC80] =	vst.add.f32.msk $0xffff, v27  }
0x175: {  	[tilespmem:s14+$0xC90] =	vst.add.f32.msk $0xffff, v28  }
0x176: {  	[tilespmem:s14+$0xCA0] =	vst.add.f32.msk $0xffff, v29  }
0x177: {  	[tilespmem:s14+$0xCB0] =	vst.add.f32.msk $0xffff, v30  }
0x178: {  	[tilespmem:s14+$0xCC0] =	vst.add.f32.msk $0xffff, v31  }
0x179: {  	[tilespmem:s14+$0xCD0] =	vst.add.f32.msk $0xffff, v32  }
0x17a: {  	[tilespmem:s14+$0xCE0] =	vst.add.f32.msk $0xffff, v33  }
0x17b: {  	[tilespmem:s14+$0xCF0] =	vst.add.f32.msk $0xffff, v34  }
0x17c: {  	[tilespmem:s14+$0x1080] =	vst.add.f32.msk $0xffff, v35  }
0x17d: {  	[tilespmem:s14+$0x1090] =	vst.add.f32.msk $0xffff, v36  }
0x17e: {  	[tilespmem:s14+$0x10A0] =	vst.add.f32.msk $0xffff, v37  }
0x17f: {  	[tilespmem:s14+$0x10B0] =	vst.add.f32.msk $0xffff, v38  }
0x180: {  	[tilespmem:s14+$0x10C0] =	vst.add.f32.msk $0xffff, v39  }
0x181: {  	[tilespmem:s14+$0x10D0] =	vst.add.f32.msk $0xffff, v40  }
0x182: {  	[tilespmem:s14+$0x10E0] =	vst.add.f32.msk $0xffff, v41  }
0x183: {  	[tilespmem:s14+$0x10F0] =	vst.add.f32.msk $0xffff, v42  }
0x184: {  	[tilespmem:s14+$0x1480] =	vst.add.f32.msk $0xffff, v43  }
0x185: {  	[tilespmem:s14+$0x1490] =	vst.add.f32.msk $0xffff, v44  }
0x186: {  	[tilespmem:s14+$0x14A0] =	vst.add.f32.msk $0xffff, v45  }
0x187: {  	[tilespmem:s14+$0x14B0] =	vst.add.f32.msk $0xffff, v46  }
0x188: {  	[tilespmem:s14+$0x14C0] =	vst.add.f32.msk $0xffff, v47  }
0x189: {  	s18 =	smul.u32 $0x300, s7;
	[tilespmem:s14+$0x14D0] =	vst.add.f32.msk $0xffff, v48  }
0x18a: {  	s16 =	rddreg [dreg:$0x3];
	[tilespmem:s14+$0x14E0] =	vst.add.f32.msk $0xffff, v49  }
0x18b: {  	s15 =	sadd.s32 s16, s18;
	[tilespmem:s14+$0xC0] =	vst.add.f32.msk $0xffff, v3;
	s14 =	simm.s32 $0x0  }
0x18c: {  	[hbm4b:s15+s14] =	stream.linear.scatter [tilespmem:s13], [sflag:$0x2], $0xC000, $0x38;
	[tilespmem:$0x18080] =	vst v63  }
0x18d: {  	_ =	swait.ge [sflag:s12], $0xC000  }
0x18e: {  	[sflag:s12] =	ssyncset.done $0x0  }
0x18f: {  	[sflag:s12] =	ssyncadd.s32 $0xFFFF4000  }
0x190: {  	s7 =	sor.u32 $0x80, s7;
	s17 =	rddreg [dreg:$0x0]  }
0x191: {  	s15 =	sadd.s32 s17, s7  }
0x192: {  	[tilespmem:s14], [sflag:$0x2] =	stream.linear.gather [hbm4b:s15+s14], $0x40, $0x38;
	[tilespmem:$0x18080] =	vst v63  }
0x193: {  	_ =	swait.ge [sflag:s12], $0x40  }
0x194: {  	[sflag:s12] =	ssyncset.done $0x0  }
0x195: {  	[sflag:s12] =	ssyncadd.s32 $0xFFFFFFC0  }
0x196: {  	v3 =	vld [tilespmem:$0x0];
	_ =	sdelay $0x4  }
0x197: {  	v4 =	vshrl.u32 v3, $0x3  }
0x198: {  	v4 =	vmul.u32 $0x30, v4  }
0x199: {  	v3 =	vand.u32 $0x7, v3  }
0x19a: {  	v3 =	vor.u32 v3, v4  }
0x19b: {  	v4 =	vperm.xlane v3, v0;
	_ =	sdelay $0x1  }
0x19c: {  	v4 =	vadd.s32 v1, v4;
	_ =	sdelay $0x3  }
0x19d: {  	v3 =	vperm.xlane v3, v2  }
0x19e: {  	[tilespmem:s13], [sflag:$0x1] =	stream.indirect_vreg.gather [hbm4b:s2+s14], $0x80, v4, vm0, $0xb8;
	[tilespmem:$0x18080] =	vst v63  }
0x19f: {  	s18 =	simm.s32 $0x880;
	v3 =	vadd.s32 v1, v3  }
0x1a0: {  	[tilespmem:s18], [sflag:$0x1] =	stream.indirect_vreg.gather [hbm4b:s8+s14], $0x80, v4, vm0, $0xb8;
	[tilespmem:$0x18080] =	vst v63  }
0x1a1: {  	s16 =	simm.s32 $0x1080  }
0x1a2: {  	[tilespmem:s16], [sflag:$0x1] =	stream.indirect_vreg.gather [hbm4b:s9+s14], $0x80, v4, vm0, $0xb8;
	[tilespmem:$0x18080] =	vst v63  }
0x1a3: {  	s17 =	simm.s32 $0x1880  }
0x1a4: {  	[tilespmem:s17], [sflag:$0x1] =	stream.indirect_vreg.gather [hbm4b:s2+s14], $0x80, v3, vm0, $0xb8;
	[tilespmem:$0x18080] =	vst v63  }
0x1a5: {  	s18 =	simm.s32 $0x2080  }
0x1a6: {  	[tilespmem:s18], [sflag:$0x1] =	stream.indirect_vreg.gather [hbm4b:s8+s14], $0x80, v3, vm0, $0xb8;
	[tilespmem:$0x18080] =	vst v63  }
0x1a7: {  	s16 =	simm.s32 $0x2880  }
0x1a8: {  	[tilespmem:s16], [sflag:$0x1] =	stream.indirect_vreg.gather [hbm4b:s9+s14], $0x80, v3, vm0, $0xb8;
	[tilespmem:$0x18080] =	vst v63  }
0x1a9: {  	v3 =	vld [tilespmem:$0x10];
	_ =	sdelay $0x4  }
0x1aa: {  	v4 =	vshrl.u32 v3, $0x3  }
0x1ab: {  	v4 =	vmul.u32 $0x30, v4  }
0x1ac: {  	v3 =	vand.u32 $0x7, v3  }
0x1ad: {  	v3 =	vor.u32 v3, v4  }
0x1ae: {  	v4 =	vperm.xlane v3, v0;
	_ =	sdelay $0x1  }
0x1af: {  	v4 =	vadd.s32 v1, v4;
	_ =	sdelay $0x3  }
0x1b0: {  	v3 =	vperm.xlane v3, v2  }
0x1b1: {  	[tilespmem:s19], [sflag:$0x1] =	stream.indirect_vreg.gather [hbm4b:s2+s14], $0x80, v4, vm0, $0xb8;
	[tilespmem:$0x18080] =	vst v63  }
0x1b2: {  	v3 =	vadd.s32 v1, v3  }
0x1b3: {  	[tilespmem:s20], [sflag:$0x1] =	stream.indirect_vreg.gather [hbm4b:s8+s14], $0x80, v4, vm0, $0xb8;
	[tilespmem:$0x18080] =	vst v63  }
0x1b4: {  	_ = 	snop  }
0x1b5: {  	[tilespmem:s21], [sflag:$0x1] =	stream.indirect_vreg.gather [hbm4b:s9+s14], $0x80, v4, vm0, $0xb8;
	[tilespmem:$0x18080] =	vst v63  }
0x1b6: {  	_ = 	snop  }
0x1b7: {  	[tilespmem:s22], [sflag:$0x1] =	stream.indirect_vreg.gather [hbm4b:s2+s14], $0x80, v3, vm0, $0xb8;
	[tilespmem:$0x18080] =	vst v63  }
0x1b8: {  	_ = 	snop  }
0x1b9: {  	[tilespmem:s23], [sflag:$0x1] =	stream.indirect_vreg.gather [hbm4b:s8+s14], $0x80, v3, vm0, $0xb8;
	[tilespmem:$0x18080] =	vst v63  }
0x1ba: {  	_ = 	snop  }
0x1bb: {  	[tilespmem:s24], [sflag:$0x1] =	stream.indirect_vreg.gather [hbm4b:s9+s14], $0x80, v3, vm0, $0xb8;
	[tilespmem:$0x18080] =	vst v63  }
0x1bc: {  	v3 =	vld [tilespmem:$0x20];
	_ =	sdelay $0x4  }
0x1bd: {  	v4 =	vshrl.u32 v3, $0x3  }
0x1be: {  	v4 =	vmul.u32 $0x30, v4  }
0x1bf: {  	v3 =	vand.u32 $0x7, v3  }
0x1c0: {  	v3 =	vor.u32 v3, v4  }
0x1c1: {  	v4 =	vperm.xlane v3, v0;
	_ =	sdelay $0x1  }
0x1c2: {  	v4 =	vadd.s32 v1, v4;
	_ =	sdelay $0x3  }
0x1c3: {  	v3 =	vperm.xlane v3, v2  }
0x1c4: {  	[tilespmem:s25], [sflag:$0x1] =	stream.indirect_vreg.gather [hbm4b:s2+s14], $0x80, v4, vm0, $0xb8;
	[tilespmem:$0x18080] =	vst v63  }
0x1c5: {  	v3 =	vadd.s32 v1, v3  }
0x1c6: {  	[tilespmem:s26], [sflag:$0x1] =	stream.indirect_vreg.gather [hbm4b:s8+s14], $0x80, v4, vm0, $0xb8;
	[tilespmem:$0x18080] =	vst v63  }
0x1c7: {  	_ = 	snop  }
0x1c8: {  	[tilespmem:s28], [sflag:$0x1] =	stream.indirect_vreg.gather [hbm4b:s9+s14], $0x80, v4, vm0, $0xb8;
	[tilespmem:$0x18080] =	vst v63  }
0x1c9: {  	_ = 	snop  }
0x1ca: {  	[tilespmem:s29], [sflag:$0x1] =	stream.indirect_vreg.gather [hbm4b:s2+s14], $0x80, v3, vm0, $0xb8;
	[tilespmem:$0x18080] =	vst v63  }
0x1cb: {  	_ = 	snop  }
0x1cc: {  	[tilespmem:s30], [sflag:$0x1] =	stream.indirect_vreg.gather [hbm4b:s8+s14], $0x80, v3, vm0, $0xb8;
	[tilespmem:$0x18080] =	vst v63  }
0x1cd: {  	_ = 	snop  }
0x1ce: {  	[tilespmem:s31], [sflag:$0x1] =	stream.indirect_vreg.gather [hbm4b:s9+s14], $0x80, v3, vm0, $0xb8;
	[tilespmem:$0x18080] =	vst v63  }
0x1cf: {  	v3 =	vld [tilespmem:$0x30];
	_ =	sdelay $0x4  }
0x1d0: {  	v4 =	vshrl.u32 v3, $0x3  }
0x1d1: {  	v4 =	vmul.u32 $0x30, v4  }
0x1d2: {  	v3 =	vand.u32 $0x7, v3  }
0x1d3: {  	v3 =	vor.u32 v3, v4  }
0x1d4: {  	v4 =	vperm.xlane v3, v0;
	_ =	sdelay $0x1  }
0x1d5: {  	v4 =	vadd.s32 v1, v4;
	_ =	sdelay $0x3  }
0x1d6: {  	v3 =	vperm.xlane v3, v2  }
0x1d7: {  	[tilespmem:s0], [sflag:$0x1] =	stream.indirect_vreg.gather [hbm4b:s2+s14], $0x80, v4, vm0, $0xb8;
	[tilespmem:$0x18080] =	vst v63  }
0x1d8: {  	v3 =	vadd.s32 v1, v3  }
0x1d9: {  	[tilespmem:s6], [sflag:$0x1] =	stream.indirect_vreg.gather [hbm4b:s8+s14], $0x80, v4, vm0, $0xb8;
	[tilespmem:$0x18080] =	vst v63  }
0x1da: {  	_ = 	snop  }
0x1db: {  	[tilespmem:s10], [sflag:$0x1] =	stream.indirect_vreg.gather [hbm4b:s9+s14], $0x80, v4, vm0, $0xb8;
	[tilespmem:$0x18080] =	vst v63  }
0x1dc: {  	_ = 	snop  }
0x1dd: {  	[tilespmem:s3], [sflag:$0x1] =	stream.indirect_vreg.gather [hbm4b:s2+s14], $0x80, v3, vm0, $0xb8;
	[tilespmem:$0x18080] =	vst v63  }
0x1de: {  	_ = 	snop  }
0x1df: {  	[tilespmem:s5], [sflag:$0x1] =	stream.indirect_vreg.gather [hbm4b:s8+s14], $0x80, v3, vm0, $0xb8;
	[tilespmem:$0x18080] =	vst v63  }
0x1e0: {  	s17 =	simm.s32 $0x0  }
0x1e1: {  	[tilespmem:s11], [sflag:$0x1] =	stream.indirect_vreg.gather [hbm4b:s9+s14], $0x80, v3, vm0, $0xb8;
	[tilespmem:$0x18080] =	vst v63  }
0x1e2: {  	s15 =	smul.u32 $0x1800, s17;
	_ =	swait.ge [sflag:s1], $0xC000  }
0x1e3: {  	s18 =	sand.u32 $0x380, s14;
	[sflag:s1] =	ssyncset.done $0x0  }
0x1e4: {  	s15 =	sor.u32 s18, s15;
	[sflag:s1] =	ssyncadd.s32 $0xFFFF4000  }
0x1e5: {  	v3 =	vld [tilespmem:s15+$0xD4F0]  }
0x1e6: {  	v6 =	vld [tilespmem:s15+$0xC080]  }
0x1e7: {  	v7 =	vld [tilespmem:s15+$0xC090]  }
0x1e8: {  	v8 =	vld [tilespmem:s15+$0xC0A0]  }
0x1e9: {  	v9 =	vld [tilespmem:s15+$0xC0B0]  }
0x1ea: {  	v10 =	vld [tilespmem:s15+$0xC0C0]  }
0x1eb: {  	v11 =	vld [tilespmem:s15+$0xC0D0]  }
0x1ec: {  	v12 =	vld [tilespmem:s15+$0xC0E0]  }
0x1ed: {  	v13 =	vld [tilespmem:s15+$0xC0F0]  }
0x1ee: {  	v14 =	vld [tilespmem:s15+$0xC480]  }
0x1ef: {  	v15 =	vld [tilespmem:s15+$0xC490]  }
0x1f0: {  	v16 =	vld [tilespmem:s15+$0xC4A0]  }
0x1f1: {  	v17 =	vld [tilespmem:s15+$0xC4B0]  }
0x1f2: {  	v18 =	vld [tilespmem:s15+$0xC4C0]  }
0x1f3: {  	v19 =	vld [tilespmem:s15+$0xC4D0]  }
0x1f4: {  	v20 =	vld [tilespmem:s15+$0xC4E0]  }
0x1f5: {  	v21 =	vld [tilespmem:s15+$0xC4F0]  }
0x1f6: {  	v22 =	vld [tilespmem:s15+$0xC880]  }
0x1f7: {  	v23 =	vld [tilespmem:s15+$0xC890]  }
0x1f8: {  	v24 =	vld [tilespmem:s15+$0xC8A0]  }
0x1f9: {  	v25 =	vld [tilespmem:s15+$0xC8B0]  }
0x1fa: {  	v26 =	vld [tilespmem:s15+$0xC8C0]  }
0x1fb: {  	v27 =	vld [tilespmem:s15+$0xC8D0]  }
0x1fc: {  	v28 =	vld [tilespmem:s15+$0xC8E0]  }
0x1fd: {  	v29 =	vld [tilespmem:s15+$0xC8F0]  }
0x1fe: {  	v30 =	vld [tilespmem:s15+$0xCC80]  }
0x1ff: {  	v31 =	vld [tilespmem:s15+$0xCC90]  }
0x200: {  	v32 =	vld [tilespmem:s15+$0xCCA0]  }
0x201: {  	v33 =	vld [tilespmem:s15+$0xCCB0]  }
0x202: {  	v34 =	vld [tilespmem:s15+$0xCCC0]  }
0x203: {  	v35 =	vld [tilespmem:s15+$0xCCD0]  }
0x204: {  	v36 =	vld [tilespmem:s15+$0xCCE0]  }
0x205: {  	v37 =	vld [tilespmem:s15+$0xCCF0]  }
0x206: {  	v52 =	vld [tilespmem:s15+$0xD080]  }
0x207: {  	v53 =	vld [tilespmem:s15+$0xD090]  }
0x208: {  	v54 =	vld [tilespmem:s15+$0xD0A0]  }
0x209: {  	v55 =	vld [tilespmem:s15+$0xD0B0]  }
0x20a: {  	v56 =	vld [tilespmem:s15+$0xD0C0]  }
0x20b: {  	v57 =	vld [tilespmem:s15+$0xD0D0]  }
0x20c: {  	v58 =	vld [tilespmem:s15+$0xD0E0]  }
0x20d: {  	v59 =	vld [tilespmem:s15+$0xD0F0]  }
0x20e: {  	v60 =	vld [tilespmem:s15+$0xD480]  }
0x20f: {  	v61 =	vld [tilespmem:s15+$0xD490]  }
0x210: {  	v62 =	vld [tilespmem:s15+$0xD4A0]  }
0x211: {  	v63 =	vld [tilespmem:s15+$0xD4B0]  }
0x212: {  	v5 =	vld [tilespmem:s15+$0xD4C0]  }
0x213: {  	v4 =	vld [tilespmem:s15+$0xD4D0]  }
0x214: {  	[tilespmem:s15+$0x14F0] =	vst.add.f32.msk $0xffff, v3  }
0x215: {  	v3 =	vld [tilespmem:s15+$0xD4E0]  }
0x216: {  	[tilespmem:s15+$0x80] =	vst.add.f32.msk $0xffff, v6  }
0x217: {  	[tilespmem:s15+$0x90] =	vst.add.f32.msk $0xffff, v7  }
0x218: {  	[tilespmem:s15+$0xA0] =	vst.add.f32.msk $0xffff, v8  }
0x219: {  	[tilespmem:s15+$0xB0] =	vst.add.f32.msk $0xffff, v9  }
0x21a: {  	[tilespmem:s15+$0xC0] =	vst.add.f32.msk $0xffff, v10  }
0x21b: {  	[tilespmem:s15+$0xD0] =	vst.add.f32.msk $0xffff, v11  }
0x21c: {  	[tilespmem:s15+$0xE0] =	vst.add.f32.msk $0xffff, v12  }
0x21d: {  	[tilespmem:s15+$0xF0] =	vst.add.f32.msk $0xffff, v13  }
0x21e: {  	[tilespmem:s15+$0x480] =	vst.add.f32.msk $0xffff, v14  }
0x21f: {  	[tilespmem:s15+$0x490] =	vst.add.f32.msk $0xffff, v15  }
0x220: {  	[tilespmem:s15+$0x4A0] =	vst.add.f32.msk $0xffff, v16  }
0x221: {  	[tilespmem:s15+$0x4B0] =	vst.add.f32.msk $0xffff, v17  }
0x222: {  	[tilespmem:s15+$0x4C0] =	vst.add.f32.msk $0xffff, v18  }
0x223: {  	[tilespmem:s15+$0x4D0] =	vst.add.f32.msk $0xffff, v19  }
0x224: {  	[tilespmem:s15+$0x4E0] =	vst.add.f32.msk $0xffff, v20  }
0x225: {  	[tilespmem:s15+$0x4F0] =	vst.add.f32.msk $0xffff, v21  }
0x226: {  	[tilespmem:s15+$0x880] =	vst.add.f32.msk $0xffff, v22  }
0x227: {  	[tilespmem:s15+$0x890] =	vst.add.f32.msk $0xffff, v23  }
0x228: {  	[tilespmem:s15+$0x8A0] =	vst.add.f32.msk $0xffff, v24  }
0x229: {  	[tilespmem:s15+$0x8B0] =	vst.add.f32.msk $0xffff, v25  }
0x22a: {  	[tilespmem:s15+$0x8C0] =	vst.add.f32.msk $0xffff, v26  }
0x22b: {  	[tilespmem:s15+$0x8D0] =	vst.add.f32.msk $0xffff, v27  }
0x22c: {  	[tilespmem:s15+$0x8E0] =	vst.add.f32.msk $0xffff, v28  }
0x22d: {  	[tilespmem:s15+$0x8F0] =	vst.add.f32.msk $0xffff, v29  }
0x22e: {  	[tilespmem:s15+$0xC80] =	vst.add.f32.msk $0xffff, v30  }
0x22f: {  	[tilespmem:s15+$0xC90] =	vst.add.f32.msk $0xffff, v31  }
0x230: {  	[tilespmem:s15+$0xCA0] =	vst.add.f32.msk $0xffff, v32  }
0x231: {  	[tilespmem:s15+$0xCB0] =	vst.add.f32.msk $0xffff, v33  }
0x232: {  	[tilespmem:s15+$0xCC0] =	vst.add.f32.msk $0xffff, v34  }
0x233: {  	[tilespmem:s15+$0xCD0] =	vst.add.f32.msk $0xffff, v35  }
0x234: {  	[tilespmem:s15+$0xCE0] =	vst.add.f32.msk $0xffff, v36  }
0x235: {  	[tilespmem:s15+$0xCF0] =	vst.add.f32.msk $0xffff, v37  }
0x236: {  	[tilespmem:s15+$0x1080] =	vst.add.f32.msk $0xffff, v52  }
0x237: {  	[tilespmem:s15+$0x1090] =	vst.add.f32.msk $0xffff, v53  }
0x238: {  	[tilespmem:s15+$0x10A0] =	vst.add.f32.msk $0xffff, v54  }
0x239: {  	[tilespmem:s15+$0x10B0] =	vst.add.f32.msk $0xffff, v55  }
0x23a: {  	[tilespmem:s15+$0x10C0] =	vst.add.f32.msk $0xffff, v56  }
0x23b: {  	[tilespmem:s15+$0x10D0] =	vst.add.f32.msk $0xffff, v57  }
0x23c: {  	[tilespmem:s15+$0x10E0] =	vst.add.f32.msk $0xffff, v58  }
0x23d: {  	[tilespmem:s15+$0x10F0] =	vst.add.f32.msk $0xffff, v59  }
0x23e: {  	[tilespmem:s15+$0x1480] =	vst.add.f32.msk $0xffff, v60  }
0x23f: {  	[tilespmem:s15+$0x1490] =	vst.add.f32.msk $0xffff, v61  }
0x240: {  	[tilespmem:s15+$0x14A0] =	vst.add.f32.msk $0xffff, v62  }
0x241: {  	s17 =	simm.s32 $0x0;
	s16 =	simm.s32 $0x2;
	[tilespmem:s15+$0x14B0] =	vst.add.f32.msk $0xffff, v63  }
.LBB2_5:
0x242: {  	p0 =	sne.s32 s16, $0x3F;
	s17 =	smul.u32 $0x1800, s17;
	[tilespmem:s15+$0x14C0] =	vst.add.f32.msk $0xffff, v5;
	s14 =	sadd.s32 $0x80, s14  }
0x243: {  	s18 =	sand.u32 $0x380, s14;
	[tilespmem:s15+$0x14D0] =	vst.add.f32.msk $0xffff, v4  }
0x244: {  	[tilespmem:s15+$0x14E0] =	vst.add.f32.msk $0xffff, v3;
	s15 =	sor.u32 s18, s17  }
0x245: {  	v3 =	vld [tilespmem:s15+$0xD4F0]  }
0x246: {  	v6 =	vld [tilespmem:s15+$0xC080]  }
0x247: {  	v7 =	vld [tilespmem:s15+$0xC090]  }
0x248: {  	v8 =	vld [tilespmem:s15+$0xC0A0]  }
0x249: {  	v9 =	vld [tilespmem:s15+$0xC0B0]  }
0x24a: {  	[tilespmem:s15+$0x14F0] =	vst.add.f32.msk $0xffff, v3  }
0x24b: {  	v10 =	vld [tilespmem:s15+$0xC0C0]  }
0x24c: {  	v11 =	vld [tilespmem:s15+$0xC0D0]  }
0x24d: {  	v12 =	vld [tilespmem:s15+$0xC0E0]  }
0x24e: {  	v13 =	vld [tilespmem:s15+$0xC0F0]  }
0x24f: {  	v14 =	vld [tilespmem:s15+$0xC480]  }
0x250: {  	v15 =	vld [tilespmem:s15+$0xC490]  }
0x251: {  	v16 =	vld [tilespmem:s15+$0xC4A0]  }
0x252: {  	v17 =	vld [tilespmem:s15+$0xC4B0]  }
0x253: {  	v18 =	vld [tilespmem:s15+$0xC4C0]  }
0x254: {  	v19 =	vld [tilespmem:s15+$0xC4D0]  }
0x255: {  	v20 =	vld [tilespmem:s15+$0xC4E0]  }
0x256: {  	v21 =	vld [tilespmem:s15+$0xC4F0]  }
0x257: {  	v22 =	vld [tilespmem:s15+$0xC880]  }
0x258: {  	v23 =	vld [tilespmem:s15+$0xC890]  }
0x259: {  	v24 =	vld [tilespmem:s15+$0xC8A0]  }
0x25a: {  	v25 =	vld [tilespmem:s15+$0xC8B0]  }
0x25b: {  	v26 =	vld [tilespmem:s15+$0xC8C0]  }
0x25c: {  	v27 =	vld [tilespmem:s15+$0xC8D0]  }
0x25d: {  	v28 =	vld [tilespmem:s15+$0xC8E0]  }
0x25e: {  	v29 =	vld [tilespmem:s15+$0xC8F0]  }
0x25f: {  	v30 =	vld [tilespmem:s15+$0xCC80]  }
0x260: {  	v31 =	vld [tilespmem:s15+$0xCC90]  }
0x261: {  	v32 =	vld [tilespmem:s15+$0xCCA0]  }
0x262: {  	v33 =	vld [tilespmem:s15+$0xCCB0]  }
0x263: {  	v34 =	vld [tilespmem:s15+$0xCCC0]  }
0x264: {  	v35 =	vld [tilespmem:s15+$0xCCD0]  }
0x265: {  	v36 =	vld [tilespmem:s15+$0xCCE0]  }
0x266: {  	v37 =	vld [tilespmem:s15+$0xCCF0]  }
0x267: {  	v38 =	vld [tilespmem:s15+$0xD080]  }
0x268: {  	v39 =	vld [tilespmem:s15+$0xD090]  }
0x269: {  	v40 =	vld [tilespmem:s15+$0xD0A0]  }
0x26a: {  	v41 =	vld [tilespmem:s15+$0xD0B0]  }
0x26b: {  	v42 =	vld [tilespmem:s15+$0xD0C0]  }
0x26c: {  	v43 =	vld [tilespmem:s15+$0xD0D0]  }
0x26d: {  	v44 =	vld [tilespmem:s15+$0xD0E0]  }
0x26e: {  	v45 =	vld [tilespmem:s15+$0xD0F0]  }
0x26f: {  	v46 =	vld [tilespmem:s15+$0xD480]  }
0x270: {  	v47 =	vld [tilespmem:s15+$0xD490]  }
0x271: {  	v48 =	vld [tilespmem:s15+$0xD4A0]  }
0x272: {  	v49 =	vld [tilespmem:s15+$0xD4B0]  }
0x273: {  	v5 =	vld [tilespmem:s15+$0xD4C0]  }
0x274: {  	v4 =	vld [tilespmem:s15+$0xD4D0]  }
0x275: {  	v3 =	vld [tilespmem:s15+$0xD4E0]  }
0x276: {  	[tilespmem:s15+$0x80] =	vst.add.f32.msk $0xffff, v6  }
0x277: {  	[tilespmem:s15+$0x90] =	vst.add.f32.msk $0xffff, v7  }
0x278: {  	[tilespmem:s15+$0xA0] =	vst.add.f32.msk $0xffff, v8  }
0x279: {  	[tilespmem:s15+$0xB0] =	vst.add.f32.msk $0xffff, v9  }
0x27a: {  	[tilespmem:s15+$0xC0] =	vst.add.f32.msk $0xffff, v10  }
0x27b: {  	[tilespmem:s15+$0xD0] =	vst.add.f32.msk $0xffff, v11  }
0x27c: {  	[tilespmem:s15+$0xE0] =	vst.add.f32.msk $0xffff, v12  }
0x27d: {  	[tilespmem:s15+$0xF0] =	vst.add.f32.msk $0xffff, v13  }
0x27e: {  	[tilespmem:s15+$0x480] =	vst.add.f32.msk $0xffff, v14  }
0x27f: {  	[tilespmem:s15+$0x490] =	vst.add.f32.msk $0xffff, v15  }
0x280: {  	[tilespmem:s15+$0x4A0] =	vst.add.f32.msk $0xffff, v16  }
0x281: {  	[tilespmem:s15+$0x4B0] =	vst.add.f32.msk $0xffff, v17  }
0x282: {  	[tilespmem:s15+$0x4C0] =	vst.add.f32.msk $0xffff, v18  }
0x283: {  	[tilespmem:s15+$0x4D0] =	vst.add.f32.msk $0xffff, v19  }
0x284: {  	[tilespmem:s15+$0x4E0] =	vst.add.f32.msk $0xffff, v20  }
0x285: {  	[tilespmem:s15+$0x4F0] =	vst.add.f32.msk $0xffff, v21  }
0x286: {  	[tilespmem:s15+$0x880] =	vst.add.f32.msk $0xffff, v22  }
0x287: {  	[tilespmem:s15+$0x890] =	vst.add.f32.msk $0xffff, v23  }
0x288: {  	[tilespmem:s15+$0x8A0] =	vst.add.f32.msk $0xffff, v24  }
0x289: {  	[tilespmem:s15+$0x8B0] =	vst.add.f32.msk $0xffff, v25  }
0x28a: {  	[tilespmem:s15+$0x8C0] =	vst.add.f32.msk $0xffff, v26  }
0x28b: {  	[tilespmem:s15+$0x8D0] =	vst.add.f32.msk $0xffff, v27  }
0x28c: {  	[tilespmem:s15+$0x8E0] =	vst.add.f32.msk $0xffff, v28  }
0x28d: {  	[tilespmem:s15+$0x8F0] =	vst.add.f32.msk $0xffff, v29  }
0x28e: {  	[tilespmem:s15+$0xC80] =	vst.add.f32.msk $0xffff, v30  }
0x28f: {  	[tilespmem:s15+$0xC90] =	vst.add.f32.msk $0xffff, v31  }
0x290: {  	[tilespmem:s15+$0xCA0] =	vst.add.f32.msk $0xffff, v32  }
0x291: {  	[tilespmem:s15+$0xCB0] =	vst.add.f32.msk $0xffff, v33  }
0x292: {  	[tilespmem:s15+$0xCC0] =	vst.add.f32.msk $0xffff, v34  }
0x293: {  	[tilespmem:s15+$0xCD0] =	vst.add.f32.msk $0xffff, v35  }
0x294: {  	[tilespmem:s15+$0xCE0] =	vst.add.f32.msk $0xffff, v36  }
0x295: {  	[tilespmem:s15+$0xCF0] =	vst.add.f32.msk $0xffff, v37  }
0x296: {  	[tilespmem:s15+$0x1080] =	vst.add.f32.msk $0xffff, v38  }
0x297: {  	[tilespmem:s15+$0x1090] =	vst.add.f32.msk $0xffff, v39  }
0x298: {  	[tilespmem:s15+$0x10A0] =	vst.add.f32.msk $0xffff, v40  }
0x299: {  	[tilespmem:s15+$0x10B0] =	vst.add.f32.msk $0xffff, v41  }
0x29a: {  	[tilespmem:s15+$0x10C0] =	vst.add.f32.msk $0xffff, v42  }
0x29b: {  	[tilespmem:s15+$0x10D0] =	vst.add.f32.msk $0xffff, v43  }
0x29c: {  	[tilespmem:s15+$0x10E0] =	vst.add.f32.msk $0xffff, v44  }
.Ltmp1:
0x29d: {  	[tilespmem:s15+$0x10F0] =	vst.add.f32.msk $0xffff, v45;
	(pc) =	sbr.rel @p0 .LBB2_5-.Ltmp1, $4  }
0x29e: {  	[tilespmem:s15+$0x1480] =	vst.add.f32.msk $0xffff, v46  }
0x29f: {  	[tilespmem:s15+$0x1490] =	vst.add.f32.msk $0xffff, v47  }
0x2a0: {  	[tilespmem:s15+$0x14A0] =	vst.add.f32.msk $0xffff, v48  }
0x2a1: {  	s17 =	sshrl.u32 s16, $0x3;
	s16 =	sadd.s32 $0x1, s16;
	[tilespmem:s15+$0x14B0] =	vst.add.f32.msk $0xffff, v49  }
0x2a2: {  	s16 =	smul.u32 $0x1800, s17;
	[tilespmem:s15+$0x14C0] =	vst.add.f32.msk $0xffff, v5;
	s14 =	sadd.s32 $0x80, s14  }
0x2a3: {  	[tilespmem:s15+$0x14D0] =	vst.add.f32.msk $0xffff, v4;
	s14 =	sand.u32 $0x380, s14  }
0x2a4: {  	[tilespmem:s15+$0x14E0] =	vst.add.f32.msk $0xffff, v3;
	s14 =	sor.u32 s14, s16  }
0x2a5: {  	v3 =	vld [tilespmem:s14+$0xD4F0]  }
0x2a6: {  	v4 =	vld [tilespmem:s14+$0xC080]  }
0x2a7: {  	v5 =	vld [tilespmem:s14+$0xC090]  }
0x2a8: {  	v6 =	vld [tilespmem:s14+$0xC0A0]  }
0x2a9: {  	v7 =	vld [tilespmem:s14+$0xC0B0]  }
0x2aa: {  	v8 =	vld [tilespmem:s14+$0xC0D0]  }
0x2ab: {  	v9 =	vld [tilespmem:s14+$0xC0E0]  }
0x2ac: {  	v10 =	vld [tilespmem:s14+$0xC0F0]  }
0x2ad: {  	v11 =	vld [tilespmem:s14+$0xC480]  }
0x2ae: {  	v12 =	vld [tilespmem:s14+$0xC490]  }
0x2af: {  	v13 =	vld [tilespmem:s14+$0xC4A0]  }
0x2b0: {  	v14 =	vld [tilespmem:s14+$0xC4B0]  }
0x2b1: {  	v15 =	vld [tilespmem:s14+$0xC4C0]  }
0x2b2: {  	v16 =	vld [tilespmem:s14+$0xC4D0]  }
0x2b3: {  	v17 =	vld [tilespmem:s14+$0xC4E0]  }
0x2b4: {  	v18 =	vld [tilespmem:s14+$0xC4F0]  }
0x2b5: {  	v19 =	vld [tilespmem:s14+$0xC880]  }
0x2b6: {  	v20 =	vld [tilespmem:s14+$0xC890]  }
0x2b7: {  	v21 =	vld [tilespmem:s14+$0xC8A0]  }
0x2b8: {  	v22 =	vld [tilespmem:s14+$0xC8B0]  }
0x2b9: {  	v23 =	vld [tilespmem:s14+$0xC8C0]  }
0x2ba: {  	v24 =	vld [tilespmem:s14+$0xC8D0]  }
0x2bb: {  	v25 =	vld [tilespmem:s14+$0xC8E0]  }
0x2bc: {  	v26 =	vld [tilespmem:s14+$0xC8F0]  }
0x2bd: {  	v27 =	vld [tilespmem:s14+$0xCC80]  }
0x2be: {  	v28 =	vld [tilespmem:s14+$0xCC90]  }
0x2bf: {  	v29 =	vld [tilespmem:s14+$0xCCA0]  }
0x2c0: {  	v30 =	vld [tilespmem:s14+$0xCCB0]  }
0x2c1: {  	v31 =	vld [tilespmem:s14+$0xCCC0]  }
0x2c2: {  	v32 =	vld [tilespmem:s14+$0xCCD0]  }
0x2c3: {  	v33 =	vld [tilespmem:s14+$0xCCE0]  }
0x2c4: {  	v34 =	vld [tilespmem:s14+$0xCCF0]  }
0x2c5: {  	v35 =	vld [tilespmem:s14+$0xD080]  }
0x2c6: {  	v36 =	vld [tilespmem:s14+$0xD090]  }
0x2c7: {  	v37 =	vld [tilespmem:s14+$0xD0A0]  }
0x2c8: {  	v38 =	vld [tilespmem:s14+$0xD0B0]  }
0x2c9: {  	v39 =	vld [tilespmem:s14+$0xD0C0]  }
0x2ca: {  	v40 =	vld [tilespmem:s14+$0xD0D0]  }
0x2cb: {  	v41 =	vld [tilespmem:s14+$0xD0E0]  }
0x2cc: {  	v42 =	vld [tilespmem:s14+$0xD0F0]  }
0x2cd: {  	v43 =	vld [tilespmem:s14+$0xD480]  }
0x2ce: {  	v44 =	vld [tilespmem:s14+$0xD490]  }
0x2cf: {  	v45 =	vld [tilespmem:s14+$0xD4A0]  }
0x2d0: {  	v46 =	vld [tilespmem:s14+$0xD4B0]  }
0x2d1: {  	v47 =	vld [tilespmem:s14+$0xD4C0]  }
0x2d2: {  	v48 =	vld [tilespmem:s14+$0xD4D0]  }
0x2d3: {  	v49 =	vld [tilespmem:s14+$0xD4E0]  }
0x2d4: {  	[tilespmem:s14+$0x14F0] =	vst.add.f32.msk $0xffff, v3  }
0x2d5: {  	v3 =	vld [tilespmem:s14+$0xC0C0]  }
0x2d6: {  	[tilespmem:s14+$0x80] =	vst.add.f32.msk $0xffff, v4  }
0x2d7: {  	[tilespmem:s14+$0x90] =	vst.add.f32.msk $0xffff, v5  }
0x2d8: {  	[tilespmem:s14+$0xA0] =	vst.add.f32.msk $0xffff, v6  }
0x2d9: {  	[tilespmem:s14+$0xB0] =	vst.add.f32.msk $0xffff, v7  }
0x2da: {  	[tilespmem:s14+$0xD0] =	vst.add.f32.msk $0xffff, v8  }
0x2db: {  	[tilespmem:s14+$0xE0] =	vst.add.f32.msk $0xffff, v9  }
0x2dc: {  	[tilespmem:s14+$0xF0] =	vst.add.f32.msk $0xffff, v10  }
0x2dd: {  	[tilespmem:s14+$0x480] =	vst.add.f32.msk $0xffff, v11  }
0x2de: {  	[tilespmem:s14+$0x490] =	vst.add.f32.msk $0xffff, v12  }
0x2df: {  	[tilespmem:s14+$0x4A0] =	vst.add.f32.msk $0xffff, v13  }
0x2e0: {  	[tilespmem:s14+$0x4B0] =	vst.add.f32.msk $0xffff, v14  }
0x2e1: {  	[tilespmem:s14+$0x4C0] =	vst.add.f32.msk $0xffff, v15  }
0x2e2: {  	[tilespmem:s14+$0x4D0] =	vst.add.f32.msk $0xffff, v16  }
0x2e3: {  	[tilespmem:s14+$0x4E0] =	vst.add.f32.msk $0xffff, v17  }
0x2e4: {  	[tilespmem:s14+$0x4F0] =	vst.add.f32.msk $0xffff, v18  }
0x2e5: {  	[tilespmem:s14+$0x880] =	vst.add.f32.msk $0xffff, v19  }
0x2e6: {  	[tilespmem:s14+$0x890] =	vst.add.f32.msk $0xffff, v20  }
0x2e7: {  	[tilespmem:s14+$0x8A0] =	vst.add.f32.msk $0xffff, v21  }
0x2e8: {  	[tilespmem:s14+$0x8B0] =	vst.add.f32.msk $0xffff, v22  }
0x2e9: {  	[tilespmem:s14+$0x8C0] =	vst.add.f32.msk $0xffff, v23  }
0x2ea: {  	[tilespmem:s14+$0x8D0] =	vst.add.f32.msk $0xffff, v24  }
0x2eb: {  	[tilespmem:s14+$0x8E0] =	vst.add.f32.msk $0xffff, v25  }
0x2ec: {  	[tilespmem:s14+$0x8F0] =	vst.add.f32.msk $0xffff, v26  }
0x2ed: {  	[tilespmem:s14+$0xC80] =	vst.add.f32.msk $0xffff, v27  }
0x2ee: {  	[tilespmem:s14+$0xC90] =	vst.add.f32.msk $0xffff, v28  }
0x2ef: {  	[tilespmem:s14+$0xCA0] =	vst.add.f32.msk $0xffff, v29  }
0x2f0: {  	[tilespmem:s14+$0xCB0] =	vst.add.f32.msk $0xffff, v30  }
0x2f1: {  	[tilespmem:s14+$0xCC0] =	vst.add.f32.msk $0xffff, v31  }
0x2f2: {  	[tilespmem:s14+$0xCD0] =	vst.add.f32.msk $0xffff, v32  }
0x2f3: {  	[tilespmem:s14+$0xCE0] =	vst.add.f32.msk $0xffff, v33  }
0x2f4: {  	[tilespmem:s14+$0xCF0] =	vst.add.f32.msk $0xffff, v34  }
0x2f5: {  	[tilespmem:s14+$0x1080] =	vst.add.f32.msk $0xffff, v35  }
0x2f6: {  	[tilespmem:s14+$0x1090] =	vst.add.f32.msk $0xffff, v36  }
0x2f7: {  	[tilespmem:s14+$0x10A0] =	vst.add.f32.msk $0xffff, v37  }
0x2f8: {  	[tilespmem:s14+$0x10B0] =	vst.add.f32.msk $0xffff, v38  }
0x2f9: {  	[tilespmem:s14+$0x10C0] =	vst.add.f32.msk $0xffff, v39  }
0x2fa: {  	[tilespmem:s14+$0x10D0] =	vst.add.f32.msk $0xffff, v40  }
0x2fb: {  	[tilespmem:s14+$0x10E0] =	vst.add.f32.msk $0xffff, v41  }
0x2fc: {  	[tilespmem:s14+$0x10F0] =	vst.add.f32.msk $0xffff, v42  }
0x2fd: {  	[tilespmem:s14+$0x1480] =	vst.add.f32.msk $0xffff, v43  }
0x2fe: {  	[tilespmem:s14+$0x1490] =	vst.add.f32.msk $0xffff, v44  }
0x2ff: {  	[tilespmem:s14+$0x14A0] =	vst.add.f32.msk $0xffff, v45  }
0x300: {  	[tilespmem:s14+$0x14B0] =	vst.add.f32.msk $0xffff, v46  }
0x301: {  	[tilespmem:s14+$0x14C0] =	vst.add.f32.msk $0xffff, v47  }
0x302: {  	s7 =	smul.u32 $0x300, s7;
	s4 =	sadd.s32 $0x1, s4;
	[tilespmem:s14+$0x14D0] =	vst.add.f32.msk $0xffff, v48  }
0x303: {  	s17 =	rddreg [dreg:$0x3];
	p0 =	sne.s32 s4, $0x10;
	[tilespmem:s14+$0x14E0] =	vst.add.f32.msk $0xffff, v49  }
.Ltmp2:
0x304: {  	s18 =	simm.s32 $0x0;
	s7 =	sadd.s32 s17, s7;
	[tilespmem:s14+$0xC0] =	vst.add.f32.msk $0xffff, v3;
	(pc) =	sbr.rel @p0 .LBB2_2-.Ltmp2, $4  }
0x305: {  	[hbm4b:s7+s18] =	stream.linear.scatter [tilespmem:s13], [sflag:$0x2], $0xC000, $0x38;
	[tilespmem:$0x18080] =	vst v63  }
0x306: {  	_ =	swait.ge [sflag:s12], $0xC000  }
0x307: {  	[sflag:s12] =	ssyncset.done $0x0  }
0x308: {  	[sflag:s12] =	ssyncadd.s32 $0xFFFF4000  }
0x309: {  	s7 =	rddreg [dreg:$0x7]  }
0x30a: {  	s4 =	rddreg [dreg:$0x6];
	s7 =	sadd.s32 $0x1, s7  }
0x30b: {  	p0 =	sne.s32 s7, s4  }
.Ltmp3:
0x30c: {  	_ = 	snop;
	(pc) =	sbr.rel @p0 .LBB2_1-.Ltmp3, $1  }
0x30d: {  	_ =	sdelay $0x3  }
0x30e: {  	_ =	sfence.sel $0x180000  }
0x30f: {  	[bflag:$0x0] =	sbarrier.arrive $0xFFFF  }
0x310: {  	_ =	strace $0x90000047  }
0x311: {  	s0 =	stileid.u32;
	[bflag:$0x2] =	sbarrier.arrive $0xFFFF  }
0x312: {  	p0 =	sne.s32 s0, $0x0;
	s0 =	rddreg [dreg:$0x4]  }
0x313: {  	s0 =	sadd.s32 @!p0 $0x100000, s0  }
0x314: {  	[sflag:s0] =	ssyncadd.tile.s32 @!p0 $0x1;
	_ =	shalt  }
.Lfunc_end2:
_tile_overlayer_lowered:
.L_overlay_start_2:
0x315: {  	(tag) =	ssettag $0x2  }
0x316: {  	s0 =	rddreg [dreg:$0x0];
	s2 =	stileid.u32  }
0x317: {  	s1 =	rddreg [dreg:$0x1];
	p0 =	sne.s32 s2, $0x0  }
0x318: {  	s3 =	rddreg [dreg:$0x2];
	[bflag:$0x3] =	sbarrier.arrive $0xFFFF;
	s2 =	simm.s32 @!p0 $0x1C02  }
0x319: {  	[timem:s3], [sflag:s2] =	dma.local @!p0 [hbm:s0], s1  }
0x31a: {  	s0 =	simm.s32 @!p0 $0x2  }
0x31b: {  	_ =	swait.ge @!p0 [sflag:s0], s1  }
0x31c: {  	s1 =	ssub.s32 @!p0 $0x0, s1;
	[sflag:s0] =	ssyncset.done @!p0 $0x0  }
0x31d: {  	[sflag:s0] =	ssyncadd.s32 @!p0 s1  }
0x31e: {  	[bflag:$0x3] =	sbarrier.arrive $0xFFFF  }
0x31f: {  	_ =	shalt  }

</sc_bundles>
